<compile_context>
chip_gen: v7x
topology: tpu7x:2x2x1
jax: 0.10.2.dev20260603
libtpu: 0.0.44.dev20260713+nightly
codegen_flags: <defaults>
</compile_context>

<pallas_src>
import jax
import jax.numpy as jnp
from jax import lax
from jax.experimental import pallas as pl
from jax.experimental.pallas import tpu as pltpu
from jax.experimental.pallas import tpu_sc as plsc

_SC_INFO = plsc.get_sparse_core_info()
_NC = _SC_INFO.num_cores
_NS = _SC_INFO.num_subcores
_NW = _NC * _NS


_SEQ, _D = 8192, 2048
_ROWS_PER_W = _SEQ // _NW
_C = 24
_CHUNKS = []
_off = 0
while _off < _ROWS_PER_W:
    _sz = min(_C, _ROWS_PER_W - _off)
    _CHUNKS.append((_off, _sz))
    _off += _sz
_NCH = len(_CHUNKS)
_NBUF = 2


def _sc_copy_body(enc_hbm, out_hbm, *scratch):
    bufs = scratch[:_NBUF]
    gsems = scratch[_NBUF:2 * _NBUF]
    ssems = scratch[2 * _NBUF:3 * _NBUF]
    wid = lax.axis_index("s") * _NC + lax.axis_index("c")
    base = wid * _ROWS_PER_W

    def start_gather(g):
        off, sz = _CHUNKS[g]
        return pltpu.async_copy(
            enc_hbm.at[pl.ds(base + off, sz)],
            bufs[g % _NBUF].at[pl.ds(0, sz)],
            gsems[g % _NBUF],
        )

    def start_scatter(g):
        off, sz = _CHUNKS[g]
        return pltpu.async_copy(
            bufs[g % _NBUF].at[pl.ds(0, sz)],
            out_hbm.at[pl.ds(base + off, sz)],
            ssems[g % _NBUF],
        )

    scat = [None] * _NBUF
    gat = [None] * _NBUF
    for g in range(min(_NBUF, _NCH)):
        gat[g % _NBUF] = start_gather(g)
    for g in range(_NCH):
        gat[g % _NBUF].wait()
        scat[g % _NBUF] = start_scatter(g)
        nxt = g + _NBUF
        if nxt < _NCH:
            scat[nxt % _NBUF].wait()
            gat[nxt % _NBUF] = start_gather(nxt)
            scat[nxt % _NBUF] = None
    for s in scat:
        if s is not None:
            s.wait()


def kernel(x, encodings):
    seq, d = encodings.shape
    mesh = plsc.VectorSubcoreMesh(core_axis_name="c", subcore_axis_name="s")
    out = pl.kernel(
        _sc_copy_body,
        mesh=mesh,
        out_type=jax.ShapeDtypeStruct((seq, d), jnp.float32),
        scratch_types=(
            [pltpu.VMEM((_C, _D), jnp.float32)] * _NBUF
            + [pltpu.SemaphoreType.DMA] * (2 * _NBUF)
        ),
    )(encodings)
    return out[None, :, :]

# --- scband reference (transcript-rebuilt; emitter-appended) ---
"""Pipeline reference for scband-learned-positional-encoding-58411555226251 (READ-ONLY COPY).

The authoritative reference and input builder live on the scoring server;
editing this copy changes nothing except your own understanding.
"""

import jax, jax.numpy as jnp
import numpy as np


def setup_inputs(seed: int = 0) -> dict:
    key = jax.random.key(seed)
    k1, k2 = jax.random.split(key)
    x = jax.random.normal(k1, (4, 8192, 2048), dtype=jnp.float32)
    # learned positional embedding table, nn.Embedding(max_seq_len=8192, embed_dim=2048)
    encodings = jax.random.normal(k2, (8192, 2048), dtype=jnp.float32)
    return {"x": x, "encodings": encodings}


def reference(x, encodings):
    # forward: positions = arange(seq_len); enc = embedding(positions).unsqueeze(0); dropout (eval -> identity)
    seq_len = x.shape[1]
    positions = jnp.arange(seq_len)
    enc = jnp.take(encodings, positions, axis=0)
    return enc[None, :, :]

if __name__ == "__main__":
    import jax
    _d = setup_inputs()
    print(jax.jit(kernel)(*tuple(_d.values())))

</pallas_src>

<mosaic_0001>
#map = affine_map<(d0, d1) -> (0, 0)>
module attributes {stable_mosaic.version = 14 : i64} {
  func.func @_sc_copy_body(%arg0: i32, %arg1: i32, %arg2: memref<8192x2048xf32, #tpu.memory_space<hbm>>, %arg3: memref<8192x2048xf32, #tpu.memory_space<hbm>>, %arg4: memref<24x2048xf32, #tpu.memory_space<vmem>>, %arg5: memref<24x2048xf32, #tpu.memory_space<vmem>>, %arg6: memref<!tpu.dma_semaphore, #tpu.memory_space<semaphore_mem>>, %arg7: memref<!tpu.dma_semaphore, #tpu.memory_space<semaphore_mem>>, %arg8: memref<!tpu.dma_semaphore, #tpu.memory_space<semaphore_mem>>, %arg9: memref<!tpu.dma_semaphore, #tpu.memory_space<semaphore_mem>>) attributes {dimension_semantics = [#tpu.dimension_semantics<core_parallel>, #tpu.dimension_semantics<subcore_parallel>], iteration_bounds = array<i64: 2, 16>, scalar_prefetch = 0 : i64, scratch_operands = 6 : i64, tpu.core_type = #tpu.core_type<sc_vector_subcore>, window_params = [{transform_indices = #map}, {transform_indices = #map}]} {
    %mul3A = arith.constant 2 : i32
    %mul3A_0 = arith.muli %arg1, %mul3A : i32
    %add3A = arith.addi %mul3A_0, %arg0 : i32
    %mul3A_1 = arith.constant 256 : i32
    %mul3A_2 = arith.muli %add3A, %mul3A_1 : i32
    %add3A_3 = arith.constant 0 : i32
    %add3A_4 = arith.addi %mul3A_2, %add3A_3 : i32
    %dma_start3A = arith.constant 0 : i32
    %dma_start3A_5 = arith.constant 0 : i32
    %dma_start3A_6 = tpu.memref_slice %arg4[%dma_start3A, %dma_start3A_5] : memref<24x2048xf32, #tpu.memory_space<vmem>> -> memref<24x2048xf32, #tpu.memory_space<vmem>>
    %dma_start3A_7 = arith.constant 0 : i32
    %dma_start3A_8 = tpu.memref_slice %arg2[%add3A_4, %dma_start3A_7] : memref<8192x2048xf32, #tpu.memory_space<hbm>> -> memref<24x2048xf32, #tpu.memory_space<hbm>>
    %dma_start3A_9 = arith.constant 0 : i32
    %dma_start3A_10 = arith.constant 0 : i32
    %dma_start3A_11 = tpu.memref_slice %arg4[%dma_start3A_9, %dma_start3A_10] : memref<24x2048xf32, #tpu.memory_space<vmem>> -> memref<24x2048xf32, #tpu.memory_space<vmem>>
    %dma_start3A_12 = arith.constant 0 : i32
    %dma_start3A_13 = tpu.memref_slice %arg2[%add3A_4, %dma_start3A_12] : memref<8192x2048xf32, #tpu.memory_space<hbm>> -> memref<24x2048xf32, #tpu.memory_space<hbm>>
    tpu.enqueue_dma source(%dma_start3A_13 : memref<24x2048xf32, #tpu.memory_space<hbm>>) target(%dma_start3A_11 : memref<24x2048xf32, #tpu.memory_space<vmem>>) target_semaphore(%arg6 : memref<!tpu.dma_semaphore, #tpu.memory_space<semaphore_mem>>)
    %add3A_14 = arith.constant 24 : i32
    %add3A_15 = arith.addi %mul3A_2, %add3A_14 : i32
    %dma_start3A_16 = arith.constant 0 : i32
    %dma_start3A_17 = arith.constant 0 : i32
    %dma_start3A_18 = tpu.memref_slice %arg5[%dma_start3A_16, %dma_start3A_17] : memref<24x2048xf32, #tpu.memory_space<vmem>> -> memref<24x2048xf32, #tpu.memory_space<vmem>>
    %dma_start3A_19 = arith.constant 0 : i32
    %dma_start3A_20 = tpu.memref_slice %arg2[%add3A_15, %dma_start3A_19] : memref<8192x2048xf32, #tpu.memory_space<hbm>> -> memref<24x2048xf32, #tpu.memory_space<hbm>>
    %dma_start3A_21 = arith.constant 0 : i32
    %dma_start3A_22 = arith.constant 0 : i32
    %dma_start3A_23 = tpu.memref_slice %arg5[%dma_start3A_21, %dma_start3A_22] : memref<24x2048xf32, #tpu.memory_space<vmem>> -> memref<24x2048xf32, #tpu.memory_space<vmem>>
    %dma_start3A_24 = arith.constant 0 : i32
    %dma_start3A_25 = tpu.memref_slice %arg2[%add3A_15, %dma_start3A_24] : memref<8192x2048xf32, #tpu.memory_space<hbm>> -> memref<24x2048xf32, #tpu.memory_space<hbm>>
    tpu.enqueue_dma source(%dma_start3A_25 : memref<24x2048xf32, #tpu.memory_space<hbm>>) target(%dma_start3A_23 : memref<24x2048xf32, #tpu.memory_space<vmem>>) target_semaphore(%arg7 : memref<!tpu.dma_semaphore, #tpu.memory_space<semaphore_mem>>)
    %dma_wait3A = arith.constant 0 : i32
    %dma_wait3A_26 = arith.constant 0 : i32
    %dma_wait3A_27 = tpu.memref_slice %arg4[%dma_wait3A, %dma_wait3A_26] : memref<24x2048xf32, #tpu.memory_space<vmem>> -> memref<24x2048xf32, #tpu.memory_space<vmem>>
    %dma_wait3A_28 = arith.constant 0 : i32
    %dma_wait3A_29 = tpu.memref_slice %arg2[%add3A_4, %dma_wait3A_28] : memref<8192x2048xf32, #tpu.memory_space<hbm>> -> memref<24x2048xf32, #tpu.memory_space<hbm>>
    %dma_wait3A_30 = arith.constant 0 : i32
    %dma_wait3A_31 = arith.constant 0 : i32
    %dma_wait3A_32 = tpu.memref_slice %arg4[%dma_wait3A_30, %dma_wait3A_31] : memref<24x2048xf32, #tpu.memory_space<vmem>> -> memref<24x2048xf32, #tpu.memory_space<vmem>>
    %dma_wait3A_33 = arith.constant 0 : i32
    %dma_wait3A_34 = tpu.memref_slice %arg2[%add3A_4, %dma_wait3A_33] : memref<8192x2048xf32, #tpu.memory_space<hbm>> -> memref<24x2048xf32, #tpu.memory_space<hbm>>
    tpu.wait_dma2 semaphore(%arg6 : memref<!tpu.dma_semaphore, #tpu.memory_space<semaphore_mem>>) src(%dma_wait3A_34 : memref<24x2048xf32, #tpu.memory_space<hbm>>) dst(%dma_wait3A_32 : memref<24x2048xf32, #tpu.memory_space<vmem>>)
    %add3A_35 = arith.constant 0 : i32
    %add3A_36 = arith.addi %mul3A_2, %add3A_35 : i32
    %dma_start3A_37 = arith.constant 0 : i32
    %dma_start3A_38 = arith.constant 0 : i32
    %dma_start3A_39 = tpu.memref_slice %arg4[%dma_start3A_37, %dma_start3A_38] : memref<24x2048xf32, #tpu.memory_space<vmem>> -> memref<24x2048xf32, #tpu.memory_space<vmem>>
    %dma_start3A_40 = arith.constant 0 : i32
    %dma_start3A_41 = tpu.memref_slice %arg3[%add3A_36, %dma_start3A_40] : memref<8192x2048xf32, #tpu.memory_space<hbm>> -> memref<24x2048xf32, #tpu.memory_space<hbm>>
    %dma_start3A_42 = arith.constant 0 : i32
    %dma_start3A_43 = tpu.memref_slice %arg3[%add3A_36, %dma_start3A_42] : memref<8192x2048xf32, #tpu.memory_space<hbm>> -> memref<24x2048xf32, #tpu.memory_space<hbm>>
    %dma_start3A_44 = arith.constant 0 : i32
    %dma_start3A_45 = arith.constant 0 : i32
    %dma_start3A_46 = tpu.memref_slice %arg4[%dma_start3A_44, %dma_start3A_45] : memref<24x2048xf32, #tpu.memory_space<vmem>> -> memref<24x2048xf32, #tpu.memory_space<vmem>>
    tpu.enqueue_dma source(%dma_start3A_46 : memref<24x2048xf32, #tpu.memory_space<vmem>>) target(%dma_start3A_43 : memref<24x2048xf32, #tpu.memory_space<hbm>>) target_semaphore(%arg8 : memref<!tpu.dma_semaphore, #tpu.memory_space<semaphore_mem>>)
    %dma_wait3A_47 = arith.constant 0 : i32
    %dma_wait3A_48 = arith.constant 0 : i32
    %dma_wait3A_49 = tpu.memref_slice %arg4[%dma_wait3A_47, %dma_wait3A_48] : memref<24x2048xf32, #tpu.memory_space<vmem>> -> memref<24x2048xf32, #tpu.memory_space<vmem>>
    %dma_wait3A_50 = arith.constant 0 : i32
    %dma_wait3A_51 = tpu.memref_slice %arg3[%add3A_36, %dma_wait3A_50] : memref<8192x2048xf32, #tpu.memory_space<hbm>> -> memref<24x2048xf32, #tpu.memory_space<hbm>>
    %dma_wait3A_52 = arith.constant 0 : i32
    %dma_wait3A_53 = tpu.memref_slice %arg3[%add3A_36, %dma_wait3A_52] : memref<8192x2048xf32, #tpu.memory_space<hbm>> -> memref<24x2048xf32, #tpu.memory_space<hbm>>
    %dma_wait3A_54 = arith.constant 0 : i32
    %dma_wait3A_55 = arith.constant 0 : i32
    %dma_wait3A_56 = tpu.memref_slice %arg4[%dma_wait3A_54, %dma_wait3A_55] : memref<24x2048xf32, #tpu.memory_space<vmem>> -> memref<24x2048xf32, #tpu.memory_space<vmem>>
    tpu.wait_dma2 semaphore(%arg8 : memref<!tpu.dma_semaphore, #tpu.memory_space<semaphore_mem>>) src(%dma_wait3A_56 : memref<24x2048xf32, #tpu.memory_space<vmem>>) dst(%dma_wait3A_53 : memref<24x2048xf32, #tpu.memory_space<hbm>>)
    %add3A_57 = arith.constant 48 : i32
    %add3A_58 = arith.addi %mul3A_2, %add3A_57 : i32
    %dma_start3A_59 = arith.constant 0 : i32
    %dma_start3A_60 = arith.constant 0 : i32
    %dma_start3A_61 = tpu.memref_slice %arg4[%dma_start3A_59, %dma_start3A_60] : memref<24x2048xf32, #tpu.memory_space<vmem>> -> memref<24x2048xf32, #tpu.memory_space<vmem>>
    %dma_start3A_62 = arith.constant 0 : i32
    %dma_start3A_63 = tpu.memref_slice %arg2[%add3A_58, %dma_start3A_62] : memref<8192x2048xf32, #tpu.memory_space<hbm>> -> memref<24x2048xf32, #tpu.memory_space<hbm>>
    %dma_start3A_64 = arith.constant 0 : i32
    %dma_start3A_65 = arith.constant 0 : i32
    %dma_start3A_66 = tpu.memref_slice %arg4[%dma_start3A_64, %dma_start3A_65] : memref<24x2048xf32, #tpu.memory_space<vmem>> -> memref<24x2048xf32, #tpu.memory_space<vmem>>
    %dma_start3A_67 = arith.constant 0 : i32
    %dma_start3A_68 = tpu.memref_slice %arg2[%add3A_58, %dma_start3A_67] : memref<8192x2048xf32, #tpu.memory_space<hbm>> -> memref<24x2048xf32, #tpu.memory_space<hbm>>
    tpu.enqueue_dma source(%dma_start3A_68 : memref<24x2048xf32, #tpu.memory_space<hbm>>) target(%dma_start3A_66 : memref<24x2048xf32, #tpu.memory_space<vmem>>) target_semaphore(%arg6 : memref<!tpu.dma_semaphore, #tpu.memory_space<semaphore_mem>>)
    %dma_wait3A_69 = arith.constant 0 : i32
    %dma_wait3A_70 = arith.constant 0 : i32
    %dma_wait3A_71 = tpu.memref_slice %arg5[%dma_wait3A_69, %dma_wait3A_70] : memref<24x2048xf32, #tpu.memory_space<vmem>> -> memref<24x2048xf32, #tpu.memory_space<vmem>>
    %dma_wait3A_72 = arith.constant 0 : i32
    %dma_wait3A_73 = tpu.memref_slice %arg2[%add3A_15, %dma_wait3A_72] : memref<8192x2048xf32, #tpu.memory_space<hbm>> -> memref<24x2048xf32, #tpu.memory_space<hbm>>
    %dma_wait3A_74 = arith.constant 0 : i32
    %dma_wait3A_75 = arith.constant 0 : i32
    %dma_wait3A_76 = tpu.memref_slice %arg5[%dma_wait3A_74, %dma_wait3A_75] : memref<24x2048xf32, #tpu.memory_space<vmem>> -> memref<24x2048xf32, #tpu.memory_space<vmem>>
    %dma_wait3A_77 = arith.constant 0 : i32
    %dma_wait3A_78 = tpu.memref_slice %arg2[%add3A_15, %dma_wait3A_77] : memref<8192x2048xf32, #tpu.memory_space<hbm>> -> memref<24x2048xf32, #tpu.memory_space<hbm>>
    tpu.wait_dma2 semaphore(%arg7 : memref<!tpu.dma_semaphore, #tpu.memory_space<semaphore_mem>>) src(%dma_wait3A_78 : memref<24x2048xf32, #tpu.memory_space<hbm>>) dst(%dma_wait3A_76 : memref<24x2048xf32, #tpu.memory_space<vmem>>)
    %add3A_79 = arith.constant 24 : i32
    %add3A_80 = arith.addi %mul3A_2, %add3A_79 : i32
    %dma_start3A_81 = arith.constant 0 : i32
    %dma_start3A_82 = arith.constant 0 : i32
    %dma_start3A_83 = tpu.memref_slice %arg5[%dma_start3A_81, %dma_start3A_82] : memref<24x2048xf32, #tpu.memory_space<vmem>> -> memref<24x2048xf32, #tpu.memory_space<vmem>>
    %dma_start3A_84 = arith.constant 0 : i32
    %dma_start3A_85 = tpu.memref_slice %arg3[%add3A_80, %dma_start3A_84] : memref<8192x2048xf32, #tpu.memory_space<hbm>> -> memref<24x2048xf32, #tpu.memory_space<hbm>>
    %dma_start3A_86 = arith.constant 0 : i32
    %dma_start3A_87 = tpu.memref_slice %arg3[%add3A_80, %dma_start3A_86] : memref<8192x2048xf32, #tpu.memory_space<hbm>> -> memref<24x2048xf32, #tpu.memory_space<hbm>>
    %dma_start3A_88 = arith.constant 0 : i32
    %dma_start3A_89 = arith.constant 0 : i32
    %dma_start3A_90 = tpu.memref_slice %arg5[%dma_start3A_88, %dma_start3A_89] : memref<24x2048xf32, #tpu.memory_space<vmem>> -> memref<24x2048xf32, #tpu.memory_space<vmem>>
    tpu.enqueue_dma source(%dma_start3A_90 : memref<24x2048xf32, #tpu.memory_space<vmem>>) target(%dma_start3A_87 : memref<24x2048xf32, #tpu.memory_space<hbm>>) target_semaphore(%arg9 : memref<!tpu.dma_semaphore, #tpu.memory_space<semaphore_mem>>)
    %dma_wait3A_91 = arith.constant 0 : i32
    %dma_wait3A_92 = arith.constant 0 : i32
    %dma_wait3A_93 = tpu.memref_slice %arg5[%dma_wait3A_91, %dma_wait3A_92] : memref<24x2048xf32, #tpu.memory_space<vmem>> -> memref<24x2048xf32, #tpu.memory_space<vmem>>
    %dma_wait3A_94 = arith.constant 0 : i32
    %dma_wait3A_95 = tpu.memref_slice %arg3[%add3A_80, %dma_wait3A_94] : memref<8192x2048xf32, #tpu.memory_space<hbm>> -> memref<24x2048xf32, #tpu.memory_space<hbm>>
    %dma_wait3A_96 = arith.constant 0 : i32
    %dma_wait3A_97 = tpu.memref_slice %arg3[%add3A_80, %dma_wait3A_96] : memref<8192x2048xf32, #tpu.memory_space<hbm>> -> memref<24x2048xf32, #tpu.memory_space<hbm>>
    %dma_wait3A_98 = arith.constant 0 : i32
    %dma_wait3A_99 = arith.constant 0 : i32
    %dma_wait3A_100 = tpu.memref_slice %arg5[%dma_wait3A_98, %dma_wait3A_99] : memref<24x2048xf32, #tpu.memory_space<vmem>> -> memref<24x2048xf32, #tpu.memory_space<vmem>>
    tpu.wait_dma2 semaphore(%arg9 : memref<!tpu.dma_semaphore, #tpu.memory_space<semaphore_mem>>) src(%dma_wait3A_100 : memref<24x2048xf32, #tpu.memory_space<vmem>>) dst(%dma_wait3A_97 : memref<24x2048xf32, #tpu.memory_space<hbm>>)
    %add3A_101 = arith.constant 72 : i32
    %add3A_102 = arith.addi %mul3A_2, %add3A_101 : i32
    %dma_start3A_103 = arith.constant 0 : i32
    %dma_start3A_104 = arith.constant 0 : i32
    %dma_start3A_105 = tpu.memref_slice %arg5[%dma_start3A_103, %dma_start3A_104] : memref<24x2048xf32, #tpu.memory_space<vmem>> -> memref<24x2048xf32, #tpu.memory_space<vmem>>
    %dma_start3A_106 = arith.constant 0 : i32
    %dma_start3A_107 = tpu.memref_slice %arg2[%add3A_102, %dma_start3A_106] : memref<8192x2048xf32, #tpu.memory_space<hbm>> -> memref<24x2048xf32, #tpu.memory_space<hbm>>
    %dma_start3A_108 = arith.constant 0 : i32
    %dma_start3A_109 = arith.constant 0 : i32
    %dma_start3A_110 = tpu.memref_slice %arg5[%dma_start3A_108, %dma_start3A_109] : memref<24x2048xf32, #tpu.memory_space<vmem>> -> memref<24x2048xf32, #tpu.memory_space<vmem>>
    %dma_start3A_111 = arith.constant 0 : i32
    %dma_start3A_112 = tpu.memref_slice %arg2[%add3A_102, %dma_start3A_111] : memref<8192x2048xf32, #tpu.memory_space<hbm>> -> memref<24x2048xf32, #tpu.memory_space<hbm>>
    tpu.enqueue_dma source(%dma_start3A_112 : memref<24x2048xf32, #tpu.memory_space<hbm>>) target(%dma_start3A_110 : memref<24x2048xf32, #tpu.memory_space<vmem>>) target_semaphore(%arg7 : memref<!tpu.dma_semaphore, #tpu.memory_space<semaphore_mem>>)
    %dma_wait3A_113 = arith.constant 0 : i32
    %dma_wait3A_114 = arith.constant 0 : i32
    %dma_wait3A_115 = tpu.memref_slice %arg4[%dma_wait3A_113, %dma_wait3A_114] : memref<24x2048xf32, #tpu.memory_space<vmem>> -> memref<24x2048xf32, #tpu.memory_space<vmem>>
    %dma_wait3A_116 = arith.constant 0 : i32
    %dma_wait3A_117 = tpu.memref_slice %arg2[%add3A_58, %dma_wait3A_116] : memref<8192x2048xf32, #tpu.memory_space<hbm>> -> memref<24x2048xf32, #tpu.memory_space<hbm>>
    %dma_wait3A_118 = arith.constant 0 : i32
    %dma_wait3A_119 = arith.constant 0 : i32
    %dma_wait3A_120 = tpu.memref_slice %arg4[%dma_wait3A_118, %dma_wait3A_119] : memref<24x2048xf32, #tpu.memory_space<vmem>> -> memref<24x2048xf32, #tpu.memory_space<vmem>>
    %dma_wait3A_121 = arith.constant 0 : i32
    %dma_wait3A_122 = tpu.memref_slice %arg2[%add3A_58, %dma_wait3A_121] : memref<8192x2048xf32, #tpu.memory_space<hbm>> -> memref<24x2048xf32, #tpu.memory_space<hbm>>
    tpu.wait_dma2 semaphore(%arg6 : memref<!tpu.dma_semaphore, #tpu.memory_space<semaphore_mem>>) src(%dma_wait3A_122 : memref<24x2048xf32, #tpu.memory_space<hbm>>) dst(%dma_wait3A_120 : memref<24x2048xf32, #tpu.memory_space<vmem>>)
    %add3A_123 = arith.constant 48 : i32
    %add3A_124 = arith.addi %mul3A_2, %add3A_123 : i32
    %dma_start3A_125 = arith.constant 0 : i32
    %dma_start3A_126 = arith.constant 0 : i32
    %dma_start3A_127 = tpu.memref_slice %arg4[%dma_start3A_125, %dma_start3A_126] : memref<24x2048xf32, #tpu.memory_space<vmem>> -> memref<24x2048xf32, #tpu.memory_space<vmem>>
    %dma_start3A_128 = arith.constant 0 : i32
    %dma_start3A_129 = tpu.memref_slice %arg3[%add3A_124, %dma_start3A_128] : memref<8192x2048xf32, #tpu.memory_space<hbm>> -> memref<24x2048xf32, #tpu.memory_space<hbm>>
    %dma_start3A_130 = arith.constant 0 : i32
    %dma_start3A_131 = tpu.memref_slice %arg3[%add3A_124, %dma_start3A_130] : memref<8192x2048xf32, #tpu.memory_space<hbm>> -> memref<24x2048xf32, #tpu.memory_space<hbm>>
    %dma_start3A_132 = arith.constant 0 : i32
    %dma_start3A_133 = arith.constant 0 : i32
    %dma_start3A_134 = tpu.memref_slice %arg4[%dma_start3A_132, %dma_start3A_133] : memref<24x2048xf32, #tpu.memory_space<vmem>> -> memref<24x2048xf32, #tpu.memory_space<vmem>>
    tpu.enqueue_dma source(%dma_start3A_134 : memref<24x2048xf32, #tpu.memory_space<vmem>>) target(%dma_start3A_131 : memref<24x2048xf32, #tpu.memory_space<hbm>>) target_semaphore(%arg8 : memref<!tpu.dma_semaphore, #tpu.memory_space<semaphore_mem>>)
    %dma_wait3A_135 = arith.constant 0 : i32
    %dma_wait3A_136 = arith.constant 0 : i32
    %dma_wait3A_137 = tpu.memref_slice %arg4[%dma_wait3A_135, %dma_wait3A_136] : memref<24x2048xf32, #tpu.memory_space<vmem>> -> memref<24x2048xf32, #tpu.memory_space<vmem>>
    %dma_wait3A_138 = arith.constant 0 : i32
    %dma_wait3A_139 = tpu.memref_slice %arg3[%add3A_124, %dma_wait3A_138] : memref<8192x2048xf32, #tpu.memory_space<hbm>> -> memref<24x2048xf32, #tpu.memory_space<hbm>>
    %dma_wait3A_140 = arith.constant 0 : i32
    %dma_wait3A_141 = tpu.memref_slice %arg3[%add3A_124, %dma_wait3A_140] : memref<8192x2048xf32, #tpu.memory_space<hbm>> -> memref<24x2048xf32, #tpu.memory_space<hbm>>
    %dma_wait3A_142 = arith.constant 0 : i32
    %dma_wait3A_143 = arith.constant 0 : i32
    %dma_wait3A_144 = tpu.memref_slice %arg4[%dma_wait3A_142, %dma_wait3A_143] : memref<24x2048xf32, #tpu.memory_space<vmem>> -> memref<24x2048xf32, #tpu.memory_space<vmem>>
    tpu.wait_dma2 semaphore(%arg8 : memref<!tpu.dma_semaphore, #tpu.memory_space<semaphore_mem>>) src(%dma_wait3A_144 : memref<24x2048xf32, #tpu.memory_space<vmem>>) dst(%dma_wait3A_141 : memref<24x2048xf32, #tpu.memory_space<hbm>>)
    %add3A_145 = arith.constant 96 : i32
    %add3A_146 = arith.addi %mul3A_2, %add3A_145 : i32
    %dma_start3A_147 = arith.constant 0 : i32
    %dma_start3A_148 = arith.constant 0 : i32
    %dma_start3A_149 = tpu.memref_slice %arg4[%dma_start3A_147, %dma_start3A_148] : memref<24x2048xf32, #tpu.memory_space<vmem>> -> memref<24x2048xf32, #tpu.memory_space<vmem>>
    %dma_start3A_150 = arith.constant 0 : i32
    %dma_start3A_151 = tpu.memref_slice %arg2[%add3A_146, %dma_start3A_150] : memref<8192x2048xf32, #tpu.memory_space<hbm>> -> memref<24x2048xf32, #tpu.memory_space<hbm>>
    %dma_start3A_152 = arith.constant 0 : i32
    %dma_start3A_153 = arith.constant 0 : i32
    %dma_start3A_154 = tpu.memref_slice %arg4[%dma_start3A_152, %dma_start3A_153] : memref<24x2048xf32, #tpu.memory_space<vmem>> -> memref<24x2048xf32, #tpu.memory_space<vmem>>
    %dma_start3A_155 = arith.constant 0 : i32
    %dma_start3A_156 = tpu.memref_slice %arg2[%add3A_146, %dma_start3A_155] : memref<8192x2048xf32, #tpu.memory_space<hbm>> -> memref<24x2048xf32, #tpu.memory_space<hbm>>
    tpu.enqueue_dma source(%dma_start3A_156 : memref<24x2048xf32, #tpu.memory_space<hbm>>) target(%dma_start3A_154 : memref<24x2048xf32, #tpu.memory_space<vmem>>) target_semaphore(%arg6 : memref<!tpu.dma_semaphore, #tpu.memory_space<semaphore_mem>>)
    %dma_wait3A_157 = arith.constant 0 : i32
    %dma_wait3A_158 = arith.constant 0 : i32
    %dma_wait3A_159 = tpu.memref_slice %arg5[%dma_wait3A_157, %dma_wait3A_158] : memref<24x2048xf32, #tpu.memory_space<vmem>> -> memref<24x2048xf32, #tpu.memory_space<vmem>>
    %dma_wait3A_160 = arith.constant 0 : i32
    %dma_wait3A_161 = tpu.memref_slice %arg2[%add3A_102, %dma_wait3A_160] : memref<8192x2048xf32, #tpu.memory_space<hbm>> -> memref<24x2048xf32, #tpu.memory_space<hbm>>
    %dma_wait3A_162 = arith.constant 0 : i32
    %dma_wait3A_163 = arith.constant 0 : i32
    %dma_wait3A_164 = tpu.memref_slice %arg5[%dma_wait3A_162, %dma_wait3A_163] : memref<24x2048xf32, #tpu.memory_space<vmem>> -> memref<24x2048xf32, #tpu.memory_space<vmem>>
    %dma_wait3A_165 = arith.constant 0 : i32
    %dma_wait3A_166 = tpu.memref_slice %arg2[%add3A_102, %dma_wait3A_165] : memref<8192x2048xf32, #tpu.memory_space<hbm>> -> memref<24x2048xf32, #tpu.memory_space<hbm>>
    tpu.wait_dma2 semaphore(%arg7 : memref<!tpu.dma_semaphore, #tpu.memory_space<semaphore_mem>>) src(%dma_wait3A_166 : memref<24x2048xf32, #tpu.memory_space<hbm>>) dst(%dma_wait3A_164 : memref<24x2048xf32, #tpu.memory_space<vmem>>)
    %add3A_167 = arith.constant 72 : i32
    %add3A_168 = arith.addi %mul3A_2, %add3A_167 : i32
    %dma_start3A_169 = arith.constant 0 : i32
    %dma_start3A_170 = arith.constant 0 : i32
    %dma_start3A_171 = tpu.memref_slice %arg5[%dma_start3A_169, %dma_start3A_170] : memref<24x2048xf32, #tpu.memory_space<vmem>> -> memref<24x2048xf32, #tpu.memory_space<vmem>>
    %dma_start3A_172 = arith.constant 0 : i32
    %dma_start3A_173 = tpu.memref_slice %arg3[%add3A_168, %dma_start3A_172] : memref<8192x2048xf32, #tpu.memory_space<hbm>> -> memref<24x2048xf32, #tpu.memory_space<hbm>>
    %dma_start3A_174 = arith.constant 0 : i32
    %dma_start3A_175 = tpu.memref_slice %arg3[%add3A_168, %dma_start3A_174] : memref<8192x2048xf32, #tpu.memory_space<hbm>> -> memref<24x2048xf32, #tpu.memory_space<hbm>>
    %dma_start3A_176 = arith.constant 0 : i32
    %dma_start3A_177 = arith.constant 0 : i32
    %dma_start3A_178 = tpu.memref_slice %arg5[%dma_start3A_176, %dma_start3A_177] : memref<24x2048xf32, #tpu.memory_space<vmem>> -> memref<24x2048xf32, #tpu.memory_space<vmem>>
    tpu.enqueue_dma source(%dma_start3A_178 : memref<24x2048xf32, #tpu.memory_space<vmem>>) target(%dma_start3A_175 : memref<24x2048xf32, #tpu.memory_space<hbm>>) target_semaphore(%arg9 : memref<!tpu.dma_semaphore, #tpu.memory_space<semaphore_mem>>)
    %dma_wait3A_179 = arith.constant 0 : i32
    %dma_wait3A_180 = arith.constant 0 : i32
    %dma_wait3A_181 = tpu.memref_slice %arg5[%dma_wait3A_179, %dma_wait3A_180] : memref<24x2048xf32, #tpu.memory_space<vmem>> -> memref<24x2048xf32, #tpu.memory_space<vmem>>
    %dma_wait3A_182 = arith.constant 0 : i32
    %dma_wait3A_183 = tpu.memref_slice %arg3[%add3A_168, %dma_wait3A_182] : memref<8192x2048xf32, #tpu.memory_space<hbm>> -> memref<24x2048xf32, #tpu.memory_space<hbm>>
    %dma_wait3A_184 = arith.constant 0 : i32
    %dma_wait3A_185 = tpu.memref_slice %arg3[%add3A_168, %dma_wait3A_184] : memref<8192x2048xf32, #tpu.memory_space<hbm>> -> memref<24x2048xf32, #tpu.memory_space<hbm>>
    %dma_wait3A_186 = arith.constant 0 : i32
    %dma_wait3A_187 = arith.constant 0 : i32
    %dma_wait3A_188 = tpu.memref_slice %arg5[%dma_wait3A_186, %dma_wait3A_187] : memref<24x2048xf32, #tpu.memory_space<vmem>> -> memref<24x2048xf32, #tpu.memory_space<vmem>>
    tpu.wait_dma2 semaphore(%arg9 : memref<!tpu.dma_semaphore, #tpu.memory_space<semaphore_mem>>) src(%dma_wait3A_188 : memref<24x2048xf32, #tpu.memory_space<vmem>>) dst(%dma_wait3A_185 : memref<24x2048xf32, #tpu.memory_space<hbm>>)
    %add3A_189 = arith.constant 120 : i32
    %add3A_190 = arith.addi %mul3A_2, %add3A_189 : i32
    %dma_start3A_191 = arith.constant 0 : i32
    %dma_start3A_192 = arith.constant 0 : i32
    %dma_start3A_193 = tpu.memref_slice %arg5[%dma_start3A_191, %dma_start3A_192] : memref<24x2048xf32, #tpu.memory_space<vmem>> -> memref<24x2048xf32, #tpu.memory_space<vmem>>
    %dma_start3A_194 = arith.constant 0 : i32
    %dma_start3A_195 = tpu.memref_slice %arg2[%add3A_190, %dma_start3A_194] : memref<8192x2048xf32, #tpu.memory_space<hbm>> -> memref<24x2048xf32, #tpu.memory_space<hbm>>
    %dma_start3A_196 = arith.constant 0 : i32
    %dma_start3A_197 = arith.constant 0 : i32
    %dma_start3A_198 = tpu.memref_slice %arg5[%dma_start3A_196, %dma_start3A_197] : memref<24x2048xf32, #tpu.memory_space<vmem>> -> memref<24x2048xf32, #tpu.memory_space<vmem>>
    %dma_start3A_199 = arith.constant 0 : i32
    %dma_start3A_200 = tpu.memref_slice %arg2[%add3A_190, %dma_start3A_199] : memref<8192x2048xf32, #tpu.memory_space<hbm>> -> memref<24x2048xf32, #tpu.memory_space<hbm>>
    tpu.enqueue_dma source(%dma_start3A_200 : memref<24x2048xf32, #tpu.memory_space<hbm>>) target(%dma_start3A_198 : memref<24x2048xf32, #tpu.memory_space<vmem>>) target_semaphore(%arg7 : memref<!tpu.dma_semaphore, #tpu.memory_space<semaphore_mem>>)
    %dma_wait3A_201 = arith.constant 0 : i32
    %dma_wait3A_202 = arith.constant 0 : i32
    %dma_wait3A_203 = tpu.memref_slice %arg4[%dma_wait3A_201, %dma_wait3A_202] : memref<24x2048xf32, #tpu.memory_space<vmem>> -> memref<24x2048xf32, #tpu.memory_space<vmem>>
    %dma_wait3A_204 = arith.constant 0 : i32
    %dma_wait3A_205 = tpu.memref_slice %arg2[%add3A_146, %dma_wait3A_204] : memref<8192x2048xf32, #tpu.memory_space<hbm>> -> memref<24x2048xf32, #tpu.memory_space<hbm>>
    %dma_wait3A_206 = arith.constant 0 : i32
    %dma_wait3A_207 = arith.constant 0 : i32
    %dma_wait3A_208 = tpu.memref_slice %arg4[%dma_wait3A_206, %dma_wait3A_207] : memref<24x2048xf32, #tpu.memory_space<vmem>> -> memref<24x2048xf32, #tpu.memory_space<vmem>>
    %dma_wait3A_209 = arith.constant 0 : i32
    %dma_wait3A_210 = tpu.memref_slice %arg2[%add3A_146, %dma_wait3A_209] : memref<8192x2048xf32, #tpu.memory_space<hbm>> -> memref<24x2048xf32, #tpu.memory_space<hbm>>
    tpu.wait_dma2 semaphore(%arg6 : memref<!tpu.dma_semaphore, #tpu.memory_space<semaphore_mem>>) src(%dma_wait3A_210 : memref<24x2048xf32, #tpu.memory_space<hbm>>) dst(%dma_wait3A_208 : memref<24x2048xf32, #tpu.memory_space<vmem>>)
    %add3A_211 = arith.constant 96 : i32
    %add3A_212 = arith.addi %mul3A_2, %add3A_211 : i32
    %dma_start3A_213 = arith.constant 0 : i32
    %dma_start3A_214 = arith.constant 0 : i32
    %dma_start3A_215 = tpu.memref_slice %arg4[%dma_start3A_213, %dma_start3A_214] : memref<24x2048xf32, #tpu.memory_space<vmem>> -> memref<24x2048xf32, #tpu.memory_space<vmem>>
    %dma_start3A_216 = arith.constant 0 : i32
    %dma_start3A_217 = tpu.memref_slice %arg3[%add3A_212, %dma_start3A_216] : memref<8192x2048xf32, #tpu.memory_space<hbm>> -> memref<24x2048xf32, #tpu.memory_space<hbm>>
    %dma_start3A_218 = arith.constant 0 : i32
    %dma_start3A_219 = tpu.memref_slice %arg3[%add3A_212, %dma_start3A_218] : memref<8192x2048xf32, #tpu.memory_space<hbm>> -> memref<24x2048xf32, #tpu.memory_space<hbm>>
    %dma_start3A_220 = arith.constant 0 : i32
    %dma_start3A_221 = arith.constant 0 : i32
    %dma_start3A_222 = tpu.memref_slice %arg4[%dma_start3A_220, %dma_start3A_221] : memref<24x2048xf32, #tpu.memory_space<vmem>> -> memref<24x2048xf32, #tpu.memory_space<vmem>>
    tpu.enqueue_dma source(%dma_start3A_222 : memref<24x2048xf32, #tpu.memory_space<vmem>>) target(%dma_start3A_219 : memref<24x2048xf32, #tpu.memory_space<hbm>>) target_semaphore(%arg8 : memref<!tpu.dma_semaphore, #tpu.memory_space<semaphore_mem>>)
    %dma_wait3A_223 = arith.constant 0 : i32
    %dma_wait3A_224 = arith.constant 0 : i32
    %dma_wait3A_225 = tpu.memref_slice %arg4[%dma_wait3A_223, %dma_wait3A_224] : memref<24x2048xf32, #tpu.memory_space<vmem>> -> memref<24x2048xf32, #tpu.memory_space<vmem>>
    %dma_wait3A_226 = arith.constant 0 : i32
    %dma_wait3A_227 = tpu.memref_slice %arg3[%add3A_212, %dma_wait3A_226] : memref<8192x2048xf32, #tpu.memory_space<hbm>> -> memref<24x2048xf32, #tpu.memory_space<hbm>>
    %dma_wait3A_228 = arith.constant 0 : i32
    %dma_wait3A_229 = tpu.memref_slice %arg3[%add3A_212, %dma_wait3A_228] : memref<8192x2048xf32, #tpu.memory_space<hbm>> -> memref<24x2048xf32, #tpu.memory_space<hbm>>
    %dma_wait3A_230 = arith.constant 0 : i32
    %dma_wait3A_231 = arith.constant 0 : i32
    %dma_wait3A_232 = tpu.memref_slice %arg4[%dma_wait3A_230, %dma_wait3A_231] : memref<24x2048xf32, #tpu.memory_space<vmem>> -> memref<24x2048xf32, #tpu.memory_space<vmem>>
    tpu.wait_dma2 semaphore(%arg8 : memref<!tpu.dma_semaphore, #tpu.memory_space<semaphore_mem>>) src(%dma_wait3A_232 : memref<24x2048xf32, #tpu.memory_space<vmem>>) dst(%dma_wait3A_229 : memref<24x2048xf32, #tpu.memory_space<hbm>>)
    %add3A_233 = arith.constant 144 : i32
    %add3A_234 = arith.addi %mul3A_2, %add3A_233 : i32
    %dma_start3A_235 = arith.constant 0 : i32
    %dma_start3A_236 = arith.constant 0 : i32
    %dma_start3A_237 = tpu.memref_slice %arg4[%dma_start3A_235, %dma_start3A_236] : memref<24x2048xf32, #tpu.memory_space<vmem>> -> memref<24x2048xf32, #tpu.memory_space<vmem>>
    %dma_start3A_238 = arith.constant 0 : i32
    %dma_start3A_239 = tpu.memref_slice %arg2[%add3A_234, %dma_start3A_238] : memref<8192x2048xf32, #tpu.memory_space<hbm>> -> memref<24x2048xf32, #tpu.memory_space<hbm>>
    %dma_start3A_240 = arith.constant 0 : i32
    %dma_start3A_241 = arith.constant 0 : i32
    %dma_start3A_242 = tpu.memref_slice %arg4[%dma_start3A_240, %dma_start3A_241] : memref<24x2048xf32, #tpu.memory_space<vmem>> -> memref<24x2048xf32, #tpu.memory_space<vmem>>
    %dma_start3A_243 = arith.constant 0 : i32
    %dma_start3A_244 = tpu.memref_slice %arg2[%add3A_234, %dma_start3A_243] : memref<8192x2048xf32, #tpu.memory_space<hbm>> -> memref<24x2048xf32, #tpu.memory_space<hbm>>
    tpu.enqueue_dma source(%dma_start3A_244 : memref<24x2048xf32, #tpu.memory_space<hbm>>) target(%dma_start3A_242 : memref<24x2048xf32, #tpu.memory_space<vmem>>) target_semaphore(%arg6 : memref<!tpu.dma_semaphore, #tpu.memory_space<semaphore_mem>>)
    %dma_wait3A_245 = arith.constant 0 : i32
    %dma_wait3A_246 = arith.constant 0 : i32
    %dma_wait3A_247 = tpu.memref_slice %arg5[%dma_wait3A_245, %dma_wait3A_246] : memref<24x2048xf32, #tpu.memory_space<vmem>> -> memref<24x2048xf32, #tpu.memory_space<vmem>>
    %dma_wait3A_248 = arith.constant 0 : i32
    %dma_wait3A_249 = tpu.memref_slice %arg2[%add3A_190, %dma_wait3A_248] : memref<8192x2048xf32, #tpu.memory_space<hbm>> -> memref<24x2048xf32, #tpu.memory_space<hbm>>
    %dma_wait3A_250 = arith.constant 0 : i32
    %dma_wait3A_251 = arith.constant 0 : i32
    %dma_wait3A_252 = tpu.memref_slice %arg5[%dma_wait3A_250, %dma_wait3A_251] : memref<24x2048xf32, #tpu.memory_space<vmem>> -> memref<24x2048xf32, #tpu.memory_space<vmem>>
    %dma_wait3A_253 = arith.constant 0 : i32
    %dma_wait3A_254 = tpu.memref_slice %arg2[%add3A_190, %dma_wait3A_253] : memref<8192x2048xf32, #tpu.memory_space<hbm>> -> memref<24x2048xf32, #tpu.memory_space<hbm>>
    tpu.wait_dma2 semaphore(%arg7 : memref<!tpu.dma_semaphore, #tpu.memory_space<semaphore_mem>>) src(%dma_wait3A_254 : memref<24x2048xf32, #tpu.memory_space<hbm>>) dst(%dma_wait3A_252 : memref<24x2048xf32, #tpu.memory_space<vmem>>)
    %add3A_255 = arith.constant 120 : i32
    %add3A_256 = arith.addi %mul3A_2, %add3A_255 : i32
    %dma_start3A_257 = arith.constant 0 : i32
    %dma_start3A_258 = arith.constant 0 : i32
    %dma_start3A_259 = tpu.memref_slice %arg5[%dma_start3A_257, %dma_start3A_258] : memref<24x2048xf32, #tpu.memory_space<vmem>> -> memref<24x2048xf32, #tpu.memory_space<vmem>>
    %dma_start3A_260 = arith.constant 0 : i32
    %dma_start3A_261 = tpu.memref_slice %arg3[%add3A_256, %dma_start3A_260] : memref<8192x2048xf32, #tpu.memory_space<hbm>> -> memref<24x2048xf32, #tpu.memory_space<hbm>>
    %dma_start3A_262 = arith.constant 0 : i32
    %dma_start3A_263 = tpu.memref_slice %arg3[%add3A_256, %dma_start3A_262] : memref<8192x2048xf32, #tpu.memory_space<hbm>> -> memref<24x2048xf32, #tpu.memory_space<hbm>>
    %dma_start3A_264 = arith.constant 0 : i32
    %dma_start3A_265 = arith.constant 0 : i32
    %dma_start3A_266 = tpu.memref_slice %arg5[%dma_start3A_264, %dma_start3A_265] : memref<24x2048xf32, #tpu.memory_space<vmem>> -> memref<24x2048xf32, #tpu.memory_space<vmem>>
    tpu.enqueue_dma source(%dma_start3A_266 : memref<24x2048xf32, #tpu.memory_space<vmem>>) target(%dma_start3A_263 : memref<24x2048xf32, #tpu.memory_space<hbm>>) target_semaphore(%arg9 : memref<!tpu.dma_semaphore, #tpu.memory_space<semaphore_mem>>)
    %dma_wait3A_267 = arith.constant 0 : i32
    %dma_wait3A_268 = arith.constant 0 : i32
    %dma_wait3A_269 = tpu.memref_slice %arg5[%dma_wait3A_267, %dma_wait3A_268] : memref<24x2048xf32, #tpu.memory_space<vmem>> -> memref<24x2048xf32, #tpu.memory_space<vmem>>
    %dma_wait3A_270 = arith.constant 0 : i32
    %dma_wait3A_271 = tpu.memref_slice %arg3[%add3A_256, %dma_wait3A_270] : memref<8192x2048xf32, #tpu.memory_space<hbm>> -> memref<24x2048xf32, #tpu.memory_space<hbm>>
    %dma_wait3A_272 = arith.constant 0 : i32
    %dma_wait3A_273 = tpu.memref_slice %arg3[%add3A_256, %dma_wait3A_272] : memref<8192x2048xf32, #tpu.memory_space<hbm>> -> memref<24x2048xf32, #tpu.memory_space<hbm>>
    %dma_wait3A_274 = arith.constant 0 : i32
    %dma_wait3A_275 = arith.constant 0 : i32
    %dma_wait3A_276 = tpu.memref_slice %arg5[%dma_wait3A_274, %dma_wait3A_275] : memref<24x2048xf32, #tpu.memory_space<vmem>> -> memref<24x2048xf32, #tpu.memory_space<vmem>>
    tpu.wait_dma2 semaphore(%arg9 : memref<!tpu.dma_semaphore, #tpu.memory_space<semaphore_mem>>) src(%dma_wait3A_276 : memref<24x2048xf32, #tpu.memory_space<vmem>>) dst(%dma_wait3A_273 : memref<24x2048xf32, #tpu.memory_space<hbm>>)
    %add3A_277 = arith.constant 168 : i32
    %add3A_278 = arith.addi %mul3A_2, %add3A_277 : i32
    %dma_start3A_279 = arith.constant 0 : i32
    %dma_start3A_280 = arith.constant 0 : i32
    %dma_start3A_281 = tpu.memref_slice %arg5[%dma_start3A_279, %dma_start3A_280] : memref<24x2048xf32, #tpu.memory_space<vmem>> -> memref<24x2048xf32, #tpu.memory_space<vmem>>
    %dma_start3A_282 = arith.constant 0 : i32
    %dma_start3A_283 = tpu.memref_slice %arg2[%add3A_278, %dma_start3A_282] : memref<8192x2048xf32, #tpu.memory_space<hbm>> -> memref<24x2048xf32, #tpu.memory_space<hbm>>
    %dma_start3A_284 = arith.constant 0 : i32
    %dma_start3A_285 = arith.constant 0 : i32
    %dma_start3A_286 = tpu.memref_slice %arg5[%dma_start3A_284, %dma_start3A_285] : memref<24x2048xf32, #tpu.memory_space<vmem>> -> memref<24x2048xf32, #tpu.memory_space<vmem>>
    %dma_start3A_287 = arith.constant 0 : i32
    %dma_start3A_288 = tpu.memref_slice %arg2[%add3A_278, %dma_start3A_287] : memref<8192x2048xf32, #tpu.memory_space<hbm>> -> memref<24x2048xf32, #tpu.memory_space<hbm>>
    tpu.enqueue_dma source(%dma_start3A_288 : memref<24x2048xf32, #tpu.memory_space<hbm>>) target(%dma_start3A_286 : memref<24x2048xf32, #tpu.memory_space<vmem>>) target_semaphore(%arg7 : memref<!tpu.dma_semaphore, #tpu.memory_space<semaphore_mem>>)
    %dma_wait3A_289 = arith.constant 0 : i32
    %dma_wait3A_290 = arith.constant 0 : i32
    %dma_wait3A_291 = tpu.memref_slice %arg4[%dma_wait3A_289, %dma_wait3A_290] : memref<24x2048xf32, #tpu.memory_space<vmem>> -> memref<24x2048xf32, #tpu.memory_space<vmem>>
    %dma_wait3A_292 = arith.constant 0 : i32
    %dma_wait3A_293 = tpu.memref_slice %arg2[%add3A_234, %dma_wait3A_292] : memref<8192x2048xf32, #tpu.memory_space<hbm>> -> memref<24x2048xf32, #tpu.memory_space<hbm>>
    %dma_wait3A_294 = arith.constant 0 : i32
    %dma_wait3A_295 = arith.constant 0 : i32
    %dma_wait3A_296 = tpu.memref_slice %arg4[%dma_wait3A_294, %dma_wait3A_295] : memref<24x2048xf32, #tpu.memory_space<vmem>> -> memref<24x2048xf32, #tpu.memory_space<vmem>>
    %dma_wait3A_297 = arith.constant 0 : i32
    %dma_wait3A_298 = tpu.memref_slice %arg2[%add3A_234, %dma_wait3A_297] : memref<8192x2048xf32, #tpu.memory_space<hbm>> -> memref<24x2048xf32, #tpu.memory_space<hbm>>
    tpu.wait_dma2 semaphore(%arg6 : memref<!tpu.dma_semaphore, #tpu.memory_space<semaphore_mem>>) src(%dma_wait3A_298 : memref<24x2048xf32, #tpu.memory_space<hbm>>) dst(%dma_wait3A_296 : memref<24x2048xf32, #tpu.memory_space<vmem>>)
    %add3A_299 = arith.constant 144 : i32
    %add3A_300 = arith.addi %mul3A_2, %add3A_299 : i32
    %dma_start3A_301 = arith.constant 0 : i32
    %dma_start3A_302 = arith.constant 0 : i32
    %dma_start3A_303 = tpu.memref_slice %arg4[%dma_start3A_301, %dma_start3A_302] : memref<24x2048xf32, #tpu.memory_space<vmem>> -> memref<24x2048xf32, #tpu.memory_space<vmem>>
    %dma_start3A_304 = arith.constant 0 : i32
    %dma_start3A_305 = tpu.memref_slice %arg3[%add3A_300, %dma_start3A_304] : memref<8192x2048xf32, #tpu.memory_space<hbm>> -> memref<24x2048xf32, #tpu.memory_space<hbm>>
    %dma_start3A_306 = arith.constant 0 : i32
    %dma_start3A_307 = tpu.memref_slice %arg3[%add3A_300, %dma_start3A_306] : memref<8192x2048xf32, #tpu.memory_space<hbm>> -> memref<24x2048xf32, #tpu.memory_space<hbm>>
    %dma_start3A_308 = arith.constant 0 : i32
    %dma_start3A_309 = arith.constant 0 : i32
    %dma_start3A_310 = tpu.memref_slice %arg4[%dma_start3A_308, %dma_start3A_309] : memref<24x2048xf32, #tpu.memory_space<vmem>> -> memref<24x2048xf32, #tpu.memory_space<vmem>>
    tpu.enqueue_dma source(%dma_start3A_310 : memref<24x2048xf32, #tpu.memory_space<vmem>>) target(%dma_start3A_307 : memref<24x2048xf32, #tpu.memory_space<hbm>>) target_semaphore(%arg8 : memref<!tpu.dma_semaphore, #tpu.memory_space<semaphore_mem>>)
    %dma_wait3A_311 = arith.constant 0 : i32
    %dma_wait3A_312 = arith.constant 0 : i32
    %dma_wait3A_313 = tpu.memref_slice %arg4[%dma_wait3A_311, %dma_wait3A_312] : memref<24x2048xf32, #tpu.memory_space<vmem>> -> memref<24x2048xf32, #tpu.memory_space<vmem>>
    %dma_wait3A_314 = arith.constant 0 : i32
    %dma_wait3A_315 = tpu.memref_slice %arg3[%add3A_300, %dma_wait3A_314] : memref<8192x2048xf32, #tpu.memory_space<hbm>> -> memref<24x2048xf32, #tpu.memory_space<hbm>>
    %dma_wait3A_316 = arith.constant 0 : i32
    %dma_wait3A_317 = tpu.memref_slice %arg3[%add3A_300, %dma_wait3A_316] : memref<8192x2048xf32, #tpu.memory_space<hbm>> -> memref<24x2048xf32, #tpu.memory_space<hbm>>
    %dma_wait3A_318 = arith.constant 0 : i32
    %dma_wait3A_319 = arith.constant 0 : i32
    %dma_wait3A_320 = tpu.memref_slice %arg4[%dma_wait3A_318, %dma_wait3A_319] : memref<24x2048xf32, #tpu.memory_space<vmem>> -> memref<24x2048xf32, #tpu.memory_space<vmem>>
    tpu.wait_dma2 semaphore(%arg8 : memref<!tpu.dma_semaphore, #tpu.memory_space<semaphore_mem>>) src(%dma_wait3A_320 : memref<24x2048xf32, #tpu.memory_space<vmem>>) dst(%dma_wait3A_317 : memref<24x2048xf32, #tpu.memory_space<hbm>>)
    %add3A_321 = arith.constant 192 : i32
    %add3A_322 = arith.addi %mul3A_2, %add3A_321 : i32
    %dma_start3A_323 = arith.constant 0 : i32
    %dma_start3A_324 = arith.constant 0 : i32
    %dma_start3A_325 = tpu.memref_slice %arg4[%dma_start3A_323, %dma_start3A_324] : memref<24x2048xf32, #tpu.memory_space<vmem>> -> memref<24x2048xf32, #tpu.memory_space<vmem>>
    %dma_start3A_326 = arith.constant 0 : i32
    %dma_start3A_327 = tpu.memref_slice %arg2[%add3A_322, %dma_start3A_326] : memref<8192x2048xf32, #tpu.memory_space<hbm>> -> memref<24x2048xf32, #tpu.memory_space<hbm>>
    %dma_start3A_328 = arith.constant 0 : i32
    %dma_start3A_329 = arith.constant 0 : i32
    %dma_start3A_330 = tpu.memref_slice %arg4[%dma_start3A_328, %dma_start3A_329] : memref<24x2048xf32, #tpu.memory_space<vmem>> -> memref<24x2048xf32, #tpu.memory_space<vmem>>
    %dma_start3A_331 = arith.constant 0 : i32
    %dma_start3A_332 = tpu.memref_slice %arg2[%add3A_322, %dma_start3A_331] : memref<8192x2048xf32, #tpu.memory_space<hbm>> -> memref<24x2048xf32, #tpu.memory_space<hbm>>
    tpu.enqueue_dma source(%dma_start3A_332 : memref<24x2048xf32, #tpu.memory_space<hbm>>) target(%dma_start3A_330 : memref<24x2048xf32, #tpu.memory_space<vmem>>) target_semaphore(%arg6 : memref<!tpu.dma_semaphore, #tpu.memory_space<semaphore_mem>>)
    %dma_wait3A_333 = arith.constant 0 : i32
    %dma_wait3A_334 = arith.constant 0 : i32
    %dma_wait3A_335 = tpu.memref_slice %arg5[%dma_wait3A_333, %dma_wait3A_334] : memref<24x2048xf32, #tpu.memory_space<vmem>> -> memref<24x2048xf32, #tpu.memory_space<vmem>>
    %dma_wait3A_336 = arith.constant 0 : i32
    %dma_wait3A_337 = tpu.memref_slice %arg2[%add3A_278, %dma_wait3A_336] : memref<8192x2048xf32, #tpu.memory_space<hbm>> -> memref<24x2048xf32, #tpu.memory_space<hbm>>
    %dma_wait3A_338 = arith.constant 0 : i32
    %dma_wait3A_339 = arith.constant 0 : i32
    %dma_wait3A_340 = tpu.memref_slice %arg5[%dma_wait3A_338, %dma_wait3A_339] : memref<24x2048xf32, #tpu.memory_space<vmem>> -> memref<24x2048xf32, #tpu.memory_space<vmem>>
    %dma_wait3A_341 = arith.constant 0 : i32
    %dma_wait3A_342 = tpu.memref_slice %arg2[%add3A_278, %dma_wait3A_341] : memref<8192x2048xf32, #tpu.memory_space<hbm>> -> memref<24x2048xf32, #tpu.memory_space<hbm>>
    tpu.wait_dma2 semaphore(%arg7 : memref<!tpu.dma_semaphore, #tpu.memory_space<semaphore_mem>>) src(%dma_wait3A_342 : memref<24x2048xf32, #tpu.memory_space<hbm>>) dst(%dma_wait3A_340 : memref<24x2048xf32, #tpu.memory_space<vmem>>)
    %add3A_343 = arith.constant 168 : i32
    %add3A_344 = arith.addi %mul3A_2, %add3A_343 : i32
    %dma_start3A_345 = arith.constant 0 : i32
    %dma_start3A_346 = arith.constant 0 : i32
    %dma_start3A_347 = tpu.memref_slice %arg5[%dma_start3A_345, %dma_start3A_346] : memref<24x2048xf32, #tpu.memory_space<vmem>> -> memref<24x2048xf32, #tpu.memory_space<vmem>>
    %dma_start3A_348 = arith.constant 0 : i32
    %dma_start3A_349 = tpu.memref_slice %arg3[%add3A_344, %dma_start3A_348] : memref<8192x2048xf32, #tpu.memory_space<hbm>> -> memref<24x2048xf32, #tpu.memory_space<hbm>>
    %dma_start3A_350 = arith.constant 0 : i32
    %dma_start3A_351 = tpu.memref_slice %arg3[%add3A_344, %dma_start3A_350] : memref<8192x2048xf32, #tpu.memory_space<hbm>> -> memref<24x2048xf32, #tpu.memory_space<hbm>>
    %dma_start3A_352 = arith.constant 0 : i32
    %dma_start3A_353 = arith.constant 0 : i32
    %dma_start3A_354 = tpu.memref_slice %arg5[%dma_start3A_352, %dma_start3A_353] : memref<24x2048xf32, #tpu.memory_space<vmem>> -> memref<24x2048xf32, #tpu.memory_space<vmem>>
    tpu.enqueue_dma source(%dma_start3A_354 : memref<24x2048xf32, #tpu.memory_space<vmem>>) target(%dma_start3A_351 : memref<24x2048xf32, #tpu.memory_space<hbm>>) target_semaphore(%arg9 : memref<!tpu.dma_semaphore, #tpu.memory_space<semaphore_mem>>)
    %dma_wait3A_355 = arith.constant 0 : i32
    %dma_wait3A_356 = arith.constant 0 : i32
    %dma_wait3A_357 = tpu.memref_slice %arg5[%dma_wait3A_355, %dma_wait3A_356] : memref<24x2048xf32, #tpu.memory_space<vmem>> -> memref<24x2048xf32, #tpu.memory_space<vmem>>
    %dma_wait3A_358 = arith.constant 0 : i32
    %dma_wait3A_359 = tpu.memref_slice %arg3[%add3A_344, %dma_wait3A_358] : memref<8192x2048xf32, #tpu.memory_space<hbm>> -> memref<24x2048xf32, #tpu.memory_space<hbm>>
    %dma_wait3A_360 = arith.constant 0 : i32
    %dma_wait3A_361 = tpu.memref_slice %arg3[%add3A_344, %dma_wait3A_360] : memref<8192x2048xf32, #tpu.memory_space<hbm>> -> memref<24x2048xf32, #tpu.memory_space<hbm>>
    %dma_wait3A_362 = arith.constant 0 : i32
    %dma_wait3A_363 = arith.constant 0 : i32
    %dma_wait3A_364 = tpu.memref_slice %arg5[%dma_wait3A_362, %dma_wait3A_363] : memref<24x2048xf32, #tpu.memory_space<vmem>> -> memref<24x2048xf32, #tpu.memory_space<vmem>>
    tpu.wait_dma2 semaphore(%arg9 : memref<!tpu.dma_semaphore, #tpu.memory_space<semaphore_mem>>) src(%dma_wait3A_364 : memref<24x2048xf32, #tpu.memory_space<vmem>>) dst(%dma_wait3A_361 : memref<24x2048xf32, #tpu.memory_space<hbm>>)
    %add3A_365 = arith.constant 216 : i32
    %add3A_366 = arith.addi %mul3A_2, %add3A_365 : i32
    %dma_start3A_367 = arith.constant 0 : i32
    %dma_start3A_368 = arith.constant 0 : i32
    %dma_start3A_369 = tpu.memref_slice %arg5[%dma_start3A_367, %dma_start3A_368] : memref<24x2048xf32, #tpu.memory_space<vmem>> -> memref<24x2048xf32, #tpu.memory_space<vmem>>
    %dma_start3A_370 = arith.constant 0 : i32
    %dma_start3A_371 = tpu.memref_slice %arg2[%add3A_366, %dma_start3A_370] : memref<8192x2048xf32, #tpu.memory_space<hbm>> -> memref<24x2048xf32, #tpu.memory_space<hbm>>
    %dma_start3A_372 = arith.constant 0 : i32
    %dma_start3A_373 = arith.constant 0 : i32
    %dma_start3A_374 = tpu.memref_slice %arg5[%dma_start3A_372, %dma_start3A_373] : memref<24x2048xf32, #tpu.memory_space<vmem>> -> memref<24x2048xf32, #tpu.memory_space<vmem>>
    %dma_start3A_375 = arith.constant 0 : i32
    %dma_start3A_376 = tpu.memref_slice %arg2[%add3A_366, %dma_start3A_375] : memref<8192x2048xf32, #tpu.memory_space<hbm>> -> memref<24x2048xf32, #tpu.memory_space<hbm>>
    tpu.enqueue_dma source(%dma_start3A_376 : memref<24x2048xf32, #tpu.memory_space<hbm>>) target(%dma_start3A_374 : memref<24x2048xf32, #tpu.memory_space<vmem>>) target_semaphore(%arg7 : memref<!tpu.dma_semaphore, #tpu.memory_space<semaphore_mem>>)
    %dma_wait3A_377 = arith.constant 0 : i32
    %dma_wait3A_378 = arith.constant 0 : i32
    %dma_wait3A_379 = tpu.memref_slice %arg4[%dma_wait3A_377, %dma_wait3A_378] : memref<24x2048xf32, #tpu.memory_space<vmem>> -> memref<24x2048xf32, #tpu.memory_space<vmem>>
    %dma_wait3A_380 = arith.constant 0 : i32
    %dma_wait3A_381 = tpu.memref_slice %arg2[%add3A_322, %dma_wait3A_380] : memref<8192x2048xf32, #tpu.memory_space<hbm>> -> memref<24x2048xf32, #tpu.memory_space<hbm>>
    %dma_wait3A_382 = arith.constant 0 : i32
    %dma_wait3A_383 = arith.constant 0 : i32
    %dma_wait3A_384 = tpu.memref_slice %arg4[%dma_wait3A_382, %dma_wait3A_383] : memref<24x2048xf32, #tpu.memory_space<vmem>> -> memref<24x2048xf32, #tpu.memory_space<vmem>>
    %dma_wait3A_385 = arith.constant 0 : i32
    %dma_wait3A_386 = tpu.memref_slice %arg2[%add3A_322, %dma_wait3A_385] : memref<8192x2048xf32, #tpu.memory_space<hbm>> -> memref<24x2048xf32, #tpu.memory_space<hbm>>
    tpu.wait_dma2 semaphore(%arg6 : memref<!tpu.dma_semaphore, #tpu.memory_space<semaphore_mem>>) src(%dma_wait3A_386 : memref<24x2048xf32, #tpu.memory_space<hbm>>) dst(%dma_wait3A_384 : memref<24x2048xf32, #tpu.memory_space<vmem>>)
    %add3A_387 = arith.constant 192 : i32
    %add3A_388 = arith.addi %mul3A_2, %add3A_387 : i32
    %dma_start3A_389 = arith.constant 0 : i32
    %dma_start3A_390 = arith.constant 0 : i32
    %dma_start3A_391 = tpu.memref_slice %arg4[%dma_start3A_389, %dma_start3A_390] : memref<24x2048xf32, #tpu.memory_space<vmem>> -> memref<24x2048xf32, #tpu.memory_space<vmem>>
    %dma_start3A_392 = arith.constant 0 : i32
    %dma_start3A_393 = tpu.memref_slice %arg3[%add3A_388, %dma_start3A_392] : memref<8192x2048xf32, #tpu.memory_space<hbm>> -> memref<24x2048xf32, #tpu.memory_space<hbm>>
    %dma_start3A_394 = arith.constant 0 : i32
    %dma_start3A_395 = tpu.memref_slice %arg3[%add3A_388, %dma_start3A_394] : memref<8192x2048xf32, #tpu.memory_space<hbm>> -> memref<24x2048xf32, #tpu.memory_space<hbm>>
    %dma_start3A_396 = arith.constant 0 : i32
    %dma_start3A_397 = arith.constant 0 : i32
    %dma_start3A_398 = tpu.memref_slice %arg4[%dma_start3A_396, %dma_start3A_397] : memref<24x2048xf32, #tpu.memory_space<vmem>> -> memref<24x2048xf32, #tpu.memory_space<vmem>>
    tpu.enqueue_dma source(%dma_start3A_398 : memref<24x2048xf32, #tpu.memory_space<vmem>>) target(%dma_start3A_395 : memref<24x2048xf32, #tpu.memory_space<hbm>>) target_semaphore(%arg8 : memref<!tpu.dma_semaphore, #tpu.memory_space<semaphore_mem>>)
    %dma_wait3A_399 = arith.constant 0 : i32
    %dma_wait3A_400 = arith.constant 0 : i32
    %dma_wait3A_401 = tpu.memref_slice %arg4[%dma_wait3A_399, %dma_wait3A_400] : memref<24x2048xf32, #tpu.memory_space<vmem>> -> memref<24x2048xf32, #tpu.memory_space<vmem>>
    %dma_wait3A_402 = arith.constant 0 : i32
    %dma_wait3A_403 = tpu.memref_slice %arg3[%add3A_388, %dma_wait3A_402] : memref<8192x2048xf32, #tpu.memory_space<hbm>> -> memref<24x2048xf32, #tpu.memory_space<hbm>>
    %dma_wait3A_404 = arith.constant 0 : i32
    %dma_wait3A_405 = tpu.memref_slice %arg3[%add3A_388, %dma_wait3A_404] : memref<8192x2048xf32, #tpu.memory_space<hbm>> -> memref<24x2048xf32, #tpu.memory_space<hbm>>
    %dma_wait3A_406 = arith.constant 0 : i32
    %dma_wait3A_407 = arith.constant 0 : i32
    %dma_wait3A_408 = tpu.memref_slice %arg4[%dma_wait3A_406, %dma_wait3A_407] : memref<24x2048xf32, #tpu.memory_space<vmem>> -> memref<24x2048xf32, #tpu.memory_space<vmem>>
    tpu.wait_dma2 semaphore(%arg8 : memref<!tpu.dma_semaphore, #tpu.memory_space<semaphore_mem>>) src(%dma_wait3A_408 : memref<24x2048xf32, #tpu.memory_space<vmem>>) dst(%dma_wait3A_405 : memref<24x2048xf32, #tpu.memory_space<hbm>>)
    %add3A_409 = arith.constant 240 : i32
    %add3A_410 = arith.addi %mul3A_2, %add3A_409 : i32
    %dma_start3A_411 = arith.constant 0 : i32
    %dma_start3A_412 = arith.constant 0 : i32
    %dma_start3A_413 = tpu.memref_slice %arg4[%dma_start3A_411, %dma_start3A_412] : memref<24x2048xf32, #tpu.memory_space<vmem>> -> memref<16x2048xf32, #tpu.memory_space<vmem>>
    %dma_start3A_414 = arith.constant 0 : i32
    %dma_start3A_415 = tpu.memref_slice %arg2[%add3A_410, %dma_start3A_414] : memref<8192x2048xf32, #tpu.memory_space<hbm>> -> memref<16x2048xf32, #tpu.memory_space<hbm>>
    %dma_start3A_416 = arith.constant 0 : i32
    %dma_start3A_417 = arith.constant 0 : i32
    %dma_start3A_418 = tpu.memref_slice %arg4[%dma_start3A_416, %dma_start3A_417] : memref<24x2048xf32, #tpu.memory_space<vmem>> -> memref<16x2048xf32, #tpu.memory_space<vmem>>
    %dma_start3A_419 = arith.constant 0 : i32
    %dma_start3A_420 = tpu.memref_slice %arg2[%add3A_410, %dma_start3A_419] : memref<8192x2048xf32, #tpu.memory_space<hbm>> -> memref<16x2048xf32, #tpu.memory_space<hbm>>
    tpu.enqueue_dma source(%dma_start3A_420 : memref<16x2048xf32, #tpu.memory_space<hbm>>) target(%dma_start3A_418 : memref<16x2048xf32, #tpu.memory_space<vmem>>) target_semaphore(%arg6 : memref<!tpu.dma_semaphore, #tpu.memory_space<semaphore_mem>>)
    %dma_wait3A_421 = arith.constant 0 : i32
    %dma_wait3A_422 = arith.constant 0 : i32
    %dma_wait3A_423 = tpu.memref_slice %arg5[%dma_wait3A_421, %dma_wait3A_422] : memref<24x2048xf32, #tpu.memory_space<vmem>> -> memref<24x2048xf32, #tpu.memory_space<vmem>>
    %dma_wait3A_424 = arith.constant 0 : i32
    %dma_wait3A_425 = tpu.memref_slice %arg2[%add3A_366, %dma_wait3A_424] : memref<8192x2048xf32, #tpu.memory_space<hbm>> -> memref<24x2048xf32, #tpu.memory_space<hbm>>
    %dma_wait3A_426 = arith.constant 0 : i32
    %dma_wait3A_427 = arith.constant 0 : i32
    %dma_wait3A_428 = tpu.memref_slice %arg5[%dma_wait3A_426, %dma_wait3A_427] : memref<24x2048xf32, #tpu.memory_space<vmem>> -> memref<24x2048xf32, #tpu.memory_space<vmem>>
    %dma_wait3A_429 = arith.constant 0 : i32
    %dma_wait3A_430 = tpu.memref_slice %arg2[%add3A_366, %dma_wait3A_429] : memref<8192x2048xf32, #tpu.memory_space<hbm>> -> memref<24x2048xf32, #tpu.memory_space<hbm>>
    tpu.wait_dma2 semaphore(%arg7 : memref<!tpu.dma_semaphore, #tpu.memory_space<semaphore_mem>>) src(%dma_wait3A_430 : memref<24x2048xf32, #tpu.memory_space<hbm>>) dst(%dma_wait3A_428 : memref<24x2048xf32, #tpu.memory_space<vmem>>)
    %add3A_431 = arith.constant 216 : i32
    %add3A_432 = arith.addi %mul3A_2, %add3A_431 : i32
    %dma_start3A_433 = arith.constant 0 : i32
    %dma_start3A_434 = arith.constant 0 : i32
    %dma_start3A_435 = tpu.memref_slice %arg5[%dma_start3A_433, %dma_start3A_434] : memref<24x2048xf32, #tpu.memory_space<vmem>> -> memref<24x2048xf32, #tpu.memory_space<vmem>>
    %dma_start3A_436 = arith.constant 0 : i32
    %dma_start3A_437 = tpu.memref_slice %arg3[%add3A_432, %dma_start3A_436] : memref<8192x2048xf32, #tpu.memory_space<hbm>> -> memref<24x2048xf32, #tpu.memory_space<hbm>>
    %dma_start3A_438 = arith.constant 0 : i32
    %dma_start3A_439 = tpu.memref_slice %arg3[%add3A_432, %dma_start3A_438] : memref<8192x2048xf32, #tpu.memory_space<hbm>> -> memref<24x2048xf32, #tpu.memory_space<hbm>>
    %dma_start3A_440 = arith.constant 0 : i32
    %dma_start3A_441 = arith.constant 0 : i32
    %dma_start3A_442 = tpu.memref_slice %arg5[%dma_start3A_440, %dma_start3A_441] : memref<24x2048xf32, #tpu.memory_space<vmem>> -> memref<24x2048xf32, #tpu.memory_space<vmem>>
    tpu.enqueue_dma source(%dma_start3A_442 : memref<24x2048xf32, #tpu.memory_space<vmem>>) target(%dma_start3A_439 : memref<24x2048xf32, #tpu.memory_space<hbm>>) target_semaphore(%arg9 : memref<!tpu.dma_semaphore, #tpu.memory_space<semaphore_mem>>)
    %dma_wait3A_443 = arith.constant 0 : i32
    %dma_wait3A_444 = arith.constant 0 : i32
    %dma_wait3A_445 = tpu.memref_slice %arg4[%dma_wait3A_443, %dma_wait3A_444] : memref<24x2048xf32, #tpu.memory_space<vmem>> -> memref<16x2048xf32, #tpu.memory_space<vmem>>
    %dma_wait3A_446 = arith.constant 0 : i32
    %dma_wait3A_447 = tpu.memref_slice %arg2[%add3A_410, %dma_wait3A_446] : memref<8192x2048xf32, #tpu.memory_space<hbm>> -> memref<16x2048xf32, #tpu.memory_space<hbm>>
    %dma_wait3A_448 = arith.constant 0 : i32
    %dma_wait3A_449 = arith.constant 0 : i32
    %dma_wait3A_450 = tpu.memref_slice %arg4[%dma_wait3A_448, %dma_wait3A_449] : memref<24x2048xf32, #tpu.memory_space<vmem>> -> memref<16x2048xf32, #tpu.memory_space<vmem>>
    %dma_wait3A_451 = arith.constant 0 : i32
    %dma_wait3A_452 = tpu.memref_slice %arg2[%add3A_410, %dma_wait3A_451] : memref<8192x2048xf32, #tpu.memory_space<hbm>> -> memref<16x2048xf32, #tpu.memory_space<hbm>>
    tpu.wait_dma2 semaphore(%arg6 : memref<!tpu.dma_semaphore, #tpu.memory_space<semaphore_mem>>) src(%dma_wait3A_452 : memref<16x2048xf32, #tpu.memory_space<hbm>>) dst(%dma_wait3A_450 : memref<16x2048xf32, #tpu.memory_space<vmem>>)
    %add3A_453 = arith.constant 240 : i32
    %add3A_454 = arith.addi %mul3A_2, %add3A_453 : i32
    %dma_start3A_455 = arith.constant 0 : i32
    %dma_start3A_456 = arith.constant 0 : i32
    %dma_start3A_457 = tpu.memref_slice %arg4[%dma_start3A_455, %dma_start3A_456] : memref<24x2048xf32, #tpu.memory_space<vmem>> -> memref<16x2048xf32, #tpu.memory_space<vmem>>
    %dma_start3A_458 = arith.constant 0 : i32
    %dma_start3A_459 = tpu.memref_slice %arg3[%add3A_454, %dma_start3A_458] : memref<8192x2048xf32, #tpu.memory_space<hbm>> -> memref<16x2048xf32, #tpu.memory_space<hbm>>
    %dma_start3A_460 = arith.constant 0 : i32
    %dma_start3A_461 = tpu.memref_slice %arg3[%add3A_454, %dma_start3A_460] : memref<8192x2048xf32, #tpu.memory_space<hbm>> -> memref<16x2048xf32, #tpu.memory_space<hbm>>
    %dma_start3A_462 = arith.constant 0 : i32
    %dma_start3A_463 = arith.constant 0 : i32
    %dma_start3A_464 = tpu.memref_slice %arg4[%dma_start3A_462, %dma_start3A_463] : memref<24x2048xf32, #tpu.memory_space<vmem>> -> memref<16x2048xf32, #tpu.memory_space<vmem>>
    tpu.enqueue_dma source(%dma_start3A_464 : memref<16x2048xf32, #tpu.memory_space<vmem>>) target(%dma_start3A_461 : memref<16x2048xf32, #tpu.memory_space<hbm>>) target_semaphore(%arg8 : memref<!tpu.dma_semaphore, #tpu.memory_space<semaphore_mem>>)
    %dma_wait3A_465 = arith.constant 0 : i32
    %dma_wait3A_466 = arith.constant 0 : i32
    %dma_wait3A_467 = tpu.memref_slice %arg4[%dma_wait3A_465, %dma_wait3A_466] : memref<24x2048xf32, #tpu.memory_space<vmem>> -> memref<16x2048xf32, #tpu.memory_space<vmem>>
    %dma_wait3A_468 = arith.constant 0 : i32
    %dma_wait3A_469 = tpu.memref_slice %arg3[%add3A_454, %dma_wait3A_468] : memref<8192x2048xf32, #tpu.memory_space<hbm>> -> memref<16x2048xf32, #tpu.memory_space<hbm>>
    %dma_wait3A_470 = arith.constant 0 : i32
    %dma_wait3A_471 = tpu.memref_slice %arg3[%add3A_454, %dma_wait3A_470] : memref<8192x2048xf32, #tpu.memory_space<hbm>> -> memref<16x2048xf32, #tpu.memory_space<hbm>>
    %dma_wait3A_472 = arith.constant 0 : i32
    %dma_wait3A_473 = arith.constant 0 : i32
    %dma_wait3A_474 = tpu.memref_slice %arg4[%dma_wait3A_472, %dma_wait3A_473] : memref<24x2048xf32, #tpu.memory_space<vmem>> -> memref<16x2048xf32, #tpu.memory_space<vmem>>
    tpu.wait_dma2 semaphore(%arg8 : memref<!tpu.dma_semaphore, #tpu.memory_space<semaphore_mem>>) src(%dma_wait3A_474 : memref<16x2048xf32, #tpu.memory_space<vmem>>) dst(%dma_wait3A_471 : memref<16x2048xf32, #tpu.memory_space<hbm>>)
    %dma_wait3A_475 = arith.constant 0 : i32
    %dma_wait3A_476 = arith.constant 0 : i32
    %dma_wait3A_477 = tpu.memref_slice %arg5[%dma_wait3A_475, %dma_wait3A_476] : memref<24x2048xf32, #tpu.memory_space<vmem>> -> memref<24x2048xf32, #tpu.memory_space<vmem>>
    %dma_wait3A_478 = arith.constant 0 : i32
    %dma_wait3A_479 = tpu.memref_slice %arg3[%add3A_432, %dma_wait3A_478] : memref<8192x2048xf32, #tpu.memory_space<hbm>> -> memref<24x2048xf32, #tpu.memory_space<hbm>>
    %dma_wait3A_480 = arith.constant 0 : i32
    %dma_wait3A_481 = tpu.memref_slice %arg3[%add3A_432, %dma_wait3A_480] : memref<8192x2048xf32, #tpu.memory_space<hbm>> -> memref<24x2048xf32, #tpu.memory_space<hbm>>
    %dma_wait3A_482 = arith.constant 0 : i32
    %dma_wait3A_483 = arith.constant 0 : i32
    %dma_wait3A_484 = tpu.memref_slice %arg5[%dma_wait3A_482, %dma_wait3A_483] : memref<24x2048xf32, #tpu.memory_space<vmem>> -> memref<24x2048xf32, #tpu.memory_space<vmem>>
    tpu.wait_dma2 semaphore(%arg9 : memref<!tpu.dma_semaphore, #tpu.memory_space<semaphore_mem>>) src(%dma_wait3A_484 : memref<24x2048xf32, #tpu.memory_space<vmem>>) dst(%dma_wait3A_481 : memref<24x2048xf32, #tpu.memory_space<hbm>>)
    return
  }
}

</mosaic_0001>

<sc_bundles>
// kernel: kernel.3.cloned.1.call-start
scs
__scs_entry_jumppad:
0x0: {  	(pc) =	sbr.rel $0x88, $3  }
0x1: {  	(tag) =	ssettag $0x0;
	lr =	simm.s32 $0x1  }
0x2: {  	[smem:$0x3FA0] =	sst lr;
	_ =	strace $0xD0000000  }
0x3: {  	_ = 	snop  }
0x4: {  	_ = 	snop  }
0x5: {  	_ = 	snop  }
0x6: {  	_ = 	snop  }
0x7: {  	_ = 	snop  }
__scs_overlays_trampoline_lowered:
0x8: {  	[smem:$0x3FAF] =	sst s0  }
0x9: {  	[smem:$0x3FB0] =	sst s1  }
0xa: {  	[smem:$0x3FB1] =	sst s2  }
0xb: {  	[smem:$0x3FB2] =	sst s3  }
0xc: {  	[smem:$0x3FB3] =	sst s4  }
0xd: {  	[smem:$0x3FB4] =	sst s5  }
0xe: {  	[smem:$0x3FB5] =	sst s6  }
0xf: {  	[smem:$0x3FB6] =	sst s7  }
0x10: {  	[smem:$0x3FB7] =	sst s8  }
0x11: {  	[smem:$0x3FB8] =	sst s9;
	s0 =	simm.s32 @!p0 $0x0  }
0x12: {  	s1 =	sld [smem:$0x3F9E];
	s0 =	simm.s32 @p0 $0x1  }
0x13: {  	[smem:$0x3FB9] =	sst s0;
	s0 =	simm.s32 @!p1 $0x0  }
0x14: {  	s2 =	sld [smem:$0x3F9D];
	s0 =	simm.s32 @p1 $0x1  }
0x15: {  	[smem:$0x3FBA] =	sst s0;
	s0 =	simm.s32 @!p2 $0x0  }
0x16: {  	s3 =	sld [smem:$0x3FDB];
	s0 =	simm.s32 @p2 $0x1  }
0x17: {  	s4 =	simm.s32 $0x1BF5;
	[smem:$0x3FBC] =	sst s0  }
0x18: {  	s0 =	sld [smem:$0x3F9F];
	_ =	swait.ge [sflag:s4], $0x0  }
0x19: {  	s7 =	sld [smem:$0x3FA0]  }
0x1a: {  	s8 =	sadd.s32 $0xFFFFE003, lr  }
0x1b: {  	s9 =	sadd.s32 $0xFFFFFEF7, lr;
	s5 =	simm.s32 $0xFFFFFFFF;
	p2 =	slt.u32 s8, $0xFFFFF086  }
0x1c: {  	p1 =	slt.u32 s9, $0xF7A;
	s5 =	simm.s32 @!p2 $0x0  }
0x1d: {  	s5 =	simm.s32 @p1 $0x1;
	p0 =	seq.s32 s7, s2  }
0x1e: {  	s7 =	smul.u32 @!p0 $0xF7A, s2;
	p2 =	seq.s32 @!p0 s5, $0x0  }
0x1f: {  	s9 =	smul.u32 $0xF7A, s1;
	s8 =	simm.s32 @!p0 $0x1BF5;
	p2 =	por !p2, p0  }
0x20: {  	[sflag:s8] =	ssyncset.s32 @!p0 $0xFFFFF086;
	s6 =	sadd.s32 @!p0 s3, s7;
	s7 =	simm.s32 @!p0 $0x108  }
0x21: {  	s3 =	sadd.s32 s3, s9;
	s6 =	sadd.s32 @!p0 $0x88, s6;
	s7 =	simm.s32 @p2 $0x1082  }
0x22: {  	[simem:s7], [sflag:s8] =	dma.local @!p0 [hbm:s6], $0xF7A  }
0x23: {  	s9 =	sor.u32 $0xD0000000, s2;
	s6 =	simm.s32 $0x108;
	_ =	swait.ge @!p0 [sflag:s8], $0x0  }
0x24: {  	s3 =	sadd.s32 $0x88, s3;
	s6 =	simm.s32 @!p1 $0x1082;
	[sflag:s4] =	ssyncset.s32 $0xFFFFF086  }
0x25: {  	[simem:s6], [sflag:s4] =	dma.local [hbm:s3], $0xF7A  }
0x26: {  	[smem:$0x3FA0] =	sst s1;
	(tag) =	ssettag s2;
	_ =	strace s9  }
0x27: {  	s1 =	sld [smem:$0x3FB0]  }
0x28: {  	s2 =	sld [smem:$0x3FB1]  }
0x29: {  	s4 =	sld [smem:$0x3FB3]  }
0x2a: {  	p0 =	seq.s32 s5, $0x0;
	s5 =	sld [smem:$0x3FB4]  }
0x2b: {  	s6 =	sld [smem:$0x3FB5]  }
0x2c: {  	s7 =	sld [smem:$0x3FB6]  }
0x2d: {  	s3 =	simm.s32 $0x108;
	s8 =	sld [smem:$0x3FB7]  }
0x2e: {  	s3 =	simm.s32 @!p0 $0x1082;
	s9 =	sld [smem:$0x3FB8]  }
0x2f: {  	lr =	sadd.s32 s0, s3;
	s0 =	sld [smem:$0x3FAF]  }
0x30: {  	s3 =	sld [smem:$0x3FB2]  }
0x31: {  	[smem:$0x3FBB] =	sst s10  }
0x32: {  	s10 =	sld [smem:$0x3FB9];
	_ =	sdelay $0x3  }
0x33: {  	p0 =	seq.s32 s10, $0x1;
	s10 =	sld [smem:$0x3FBB];
	_ =	sdelay $0x3  }
0x34: {  	[smem:$0x3FBB] =	sst s10  }
0x35: {  	s10 =	sld [smem:$0x3FBA];
	_ =	sdelay $0x3  }
0x36: {  	p1 =	seq.s32 s10, $0x1;
	s10 =	sld [smem:$0x3FBB];
	_ =	sdelay $0x3  }
0x37: {  	[smem:$0x3FBB] =	sst s10  }
0x38: {  	s10 =	sld [smem:$0x3FBC]  }
0x39: {  	_ = 	snop;
	(pc) =	sbr.ind lr, $3  }
0x3a: {  	_ = 	snop  }
0x3b: {  	_ = 	snop  }
0x3c: {  	p2 =	seq.s32 s10, $0x1;
	s10 =	sld [smem:$0x3FBB]  }
0x3d: {  	_ =	shalt  }
0x3e: {  	_ =	shalt  }
0x3f: {  	_ =	shalt  }
0x40: {  	_ =	shalt  }
0x41: {  	_ =	shalt  }
0x42: {  	_ =	shalt  }
0x43: {  	_ =	shalt  }
0x44: {  	_ =	shalt  }
0x45: {  	_ =	shalt  }
0x46: {  	_ =	shalt  }
0x47: {  	_ =	shalt  }
0x48: {  	_ =	shalt  }
0x49: {  	_ =	shalt  }
0x4a: {  	_ =	shalt  }
0x4b: {  	_ =	shalt  }
0x4c: {  	_ =	shalt  }
0x4d: {  	_ =	shalt  }
0x4e: {  	_ =	shalt  }
0x4f: {  	_ =	shalt  }
0x50: {  	_ =	shalt  }
0x51: {  	_ =	shalt  }
0x52: {  	_ =	shalt  }
0x53: {  	_ =	shalt  }
0x54: {  	_ =	shalt  }
0x55: {  	_ =	shalt  }
0x56: {  	_ =	shalt  }
0x57: {  	_ =	shalt  }
0x58: {  	_ =	shalt  }
0x59: {  	_ =	shalt  }
0x5a: {  	_ =	shalt  }
0x5b: {  	_ =	shalt  }
0x5c: {  	_ =	shalt  }
0x5d: {  	_ =	shalt  }
0x5e: {  	_ =	shalt  }
0x5f: {  	_ =	shalt  }
0x60: {  	_ =	shalt  }
0x61: {  	_ =	shalt  }
0x62: {  	_ =	shalt  }
0x63: {  	_ =	shalt  }
0x64: {  	_ =	shalt  }
0x65: {  	_ =	shalt  }
0x66: {  	_ =	shalt  }
0x67: {  	_ =	shalt  }
0x68: {  	_ =	shalt  }
0x69: {  	_ =	shalt  }
0x6a: {  	_ =	shalt  }
0x6b: {  	_ =	shalt  }
0x6c: {  	_ =	shalt  }
0x6d: {  	_ =	shalt  }
0x6e: {  	_ =	shalt  }
0x6f: {  	_ =	shalt  }
0x70: {  	_ =	shalt  }
0x71: {  	_ =	shalt  }
0x72: {  	_ =	shalt  }
0x73: {  	_ =	shalt  }
0x74: {  	_ =	shalt  }
0x75: {  	_ =	shalt  }
0x76: {  	_ =	shalt  }
0x77: {  	_ =	shalt  }
0x78: {  	_ =	shalt  }
0x79: {  	_ =	shalt  }
0x7a: {  	_ =	shalt  }
0x7b: {  	_ =	shalt  }
0x7c: {  	_ =	shalt  }
0x7d: {  	_ =	shalt  }
0x7e: {  	_ =	shalt  }
0x7f: {  	_ =	shalt  }
0x80: {  	_ =	shalt  }
0x81: {  	_ =	shalt  }
0x82: {  	_ =	shalt  }
0x83: {  	_ =	shalt  }
0x84: {  	_ =	shalt  }
0x85: {  	_ =	shalt  }
0x86: {  	_ =	shalt  }
0x87: {  	_ =	shalt  }
.Lfunc_end0:
.L_simem_size_0:
called_computation_lowered:
.L_overlay_start_0:
0x88: {  	s2 =	sld [smem:$0x3FD9]  }
0x89: {  	s3 =	sld [smem:$0x3FFE];
	_ =	sdelay $0x1  }
0x8a: {  	s1 =	srdreg.scid  }
0x8b: {  	s0 =	sand.u32 $0x1, s1  }
0x8c: {  	s18 =	sshll.u32 s0, $0xA;
	s2 =	sadd.s32 s3, s2  }
0x8d: {  	s2 =	sadd.s32 s2, s18  }
0x8e: {  	[smem:$0x3FC7] =	sst s2  }
0x8f: {  	_ = 	snop  }
0x90: {  	s2 =	sld [smem:$0x3FC9]  }
0x91: {  	s19 =	sld [smem:$0x3FD0];
	(tm) =	ssettm $0x1  }
0x92: {  	s4 =	sld [smem:$0x3FFB];
	_ =	sdelay $0x3  }
0x93: {  	_ =	strace s4  }
0x94: {  	s4 =	sld [smem:$0x3FFC];
	_ =	sdelay $0x3  }
0x95: {  	_ =	strace s4  }
0x96: {  	s4 =	sld [smem:$0x3FFD];
	_ =	sdelay $0x3  }
0x97: {  	_ =	strace s4  }
0x98: {  	_ =	strace $0x8FFFFFFF  }
0x99: {  	s20 =	sld [smem:$0x3FDB];
	_ =	sdelay $0x1  }
0x9a: {  	s5 =	simm.s32 $_scs_section_size  }
0x9b: {  	s6 =	simm.s32 $_size__tile_overlayer_lowered;
	s7 =	simm.s32 $_tile_overlayer_lowered  }
0x9c: {  	s23 =	simm.s32 $0x1BFF;
	s22 =	sshll.u32 s7, $0x1;
	s4 =	sadd.s32 s5, s20  }
0x9d: {  	s8 =	simm.s32 $0x0;
	s21 =	sshll.u32 s6, $0x1;
	s6 =	sadd.s32 s22, s4  }
0x9e: {  	[timem:s8], [sflag:s23] =	dma.local [hbm:s6], s21  }
0x9f: {  	_ =	swait.ge [sflag:s23], s21  }
0xa0: {  	s5 =	ssub.s32 $0x0, s21;
	[sflag:s23] =	ssyncset.done $0x0  }
0xa1: {  	[sflag:s23] =	ssyncadd.s32 s5;
	_ =	sdelay $0x1  }
0xa2: {  	s24 =	simm.s32 $0x1B8B  }
0xa3: {  	_ =	swait.ge [sflag:s24], $0x1  }
0xa4: {  	[sflag:s24] =	ssyncset.done $0x0  }
0xa5: {  	s25 =	simm.s32 $0x1B8E;
	[sflag:s24] =	ssyncadd.s32 $0xFFFFFFFF  }
0xa6: {  	s26 =	simm.s32 $execute0_lowered;
	[smem:$0x3FD2] =	sst s25  }
0xa7: {  	s5 =	sshll.u32 s26, $0x1;
	_ =	strace $0x80000046;
	[dreg:$0x1] =	wrdreg $0xFFFFFFFF  }
0xa8: {  	s28 =	simm.s32 $_size_execute0_lowered;
	s4 =	sadd.s32 s4, s5;
	[dreg:$0x0] =	wrdreg $0x0  }
0xa9: {  	s5 =	sshll.u32 s28, $0x1;
	[dreg:$0x2] =	wrdreg s4  }
0xaa: {  	[dreg:$0x3] =	wrdreg s5  }
0xab: {  	[dreg:$0x4] =	wrdreg $0xC0  }
0xac: {  	_ =	task [dreg:s8], $0x5FFFF  }
0xad: {  	[dreg:$0x1] =	wrdreg $0xFFFFFFFF  }
0xae: {  	[dreg:$0x0] =	wrdreg $0x60  }
0xaf: {  	[dreg:$0x2] =	wrdreg s2  }
0xb0: {  	[dreg:$0x3] =	wrdreg s19  }
0xb1: {  	[dreg:$0x4] =	wrdreg $0x9  }
0xb2: {  	_ =	task.clear_ibuf [dreg:s8], $0x5FFFF;
	_ =	strace $0x90000046  }
0xb3: {  	s29 =	simm.s32 $0x9;
	_ =	strace $0x80000048  }
0xb4: {  	_ =	swait.ge [sflag:s29], $0x1  }
0xb5: {  	[sflag:s29] =	ssyncadd.s32 $0xFFFFFFFF  }
0xb6: {  	_ =	strace $0x90000048  }
0xb7: {  	_ =	sfence  }
0xb8: {  	s30 =	sld [smem:$0x0];
	_ =	sdelay $0x2  }
0xb9: {  	s31 =	sshll.u32 s1, $0xD;
	s1 =	sshrl.u32 s1, $0x2  }
0xba: {  	s3 =	sand.u32 $0x4000, s31;
	s1 =	sadd.s32 s1, s30  }
0xbb: {  	s0 =	sor.u32 s3, s0;
	s1 =	sshll.u32 s1, $0x11  }
0xbc: {  	s0 =	sor.u32 s1, s0  }
0xbd: {  	s0 =	sadd.s32 $0x8F2B, s0  }
0xbe: {  	[sflag:s0] =	ssyncadd.remote.s32 $0x1  }
0xbf: {  	_ =	sfence.sel $0xFFFF  }
0xc0: {  	[dreg:$0x0] =	wrdreg $0xFFFFFFFF;
	(pc) =	sbr.abs _section_cstart, $3  }
0xc1: {  	[dreg:$0x1] =	wrdreg $0xFFFFFFFF  }
0xc2: {  	_ =	task.clear_ibuf [dreg:s8], $0x2FFFF;
	_ =	strace $0x9FFFFFFF  }
0xc3: {  	(tm) =	ssettm $0x7FFFFFFF  }
tec
execute0_lowered:
.L_overlay_start_1:
0x0: {  	(tag) =	ssettag $0x1  }
0x1: {  	s28 =	rddreg [dreg:$0x0];
	s2 =	srdreg.scid  }
0x2: {  	s30 =	rddreg [dreg:$0x1];
	s0 =	stileid.u32;
	s31 =	sand.u32 $0x1, s2  }
0x3: {  	s2 =	simm.s32 $0x0;
	s3 =	sshll.u32 s0, $0x11;
	s4 =	sshll.u32 s31, $0x10  }
0x4: {  	[smem:$0x7FF] =	sst s2;
	s29 =	sor.u32 s4, s3  }
0x5: {  	_ =	strace $0x80000047;
	s3 =	sadd.s32 s28, s29;
	s11 =	sor.u32 $0x1800, s29  }
0x6: {  	[tilespmem:s2], [sflag:$0x1] =	stream.linear.gather [hbm4b:s3+s2], $0xC000, $0x38;
	[tilespmem:$0x18000] =	vst v63  }
0x7: {  	s5 =	simm.s32 $0xC000;
	s6 =	simm.s32 $0x1;
	s4 =	sadd.s32 s28, s11  }
0x8: {  	[tilespmem:s5], [sflag:$0x2] =	stream.linear.gather [hbm4b:s4+s2], $0xC000, $0x38;
	[tilespmem:$0x18000] =	vst v63  }
0x9: {  	_ =	swait.ge [sflag:s6], $0xC000  }
0xa: {  	[sflag:s6] =	ssyncset.done $0x0  }
0xb: {  	s8 =	simm.s32 $0x3;
	s7 =	sadd.s32 s30, s29;
	[sflag:s6] =	ssyncadd.s32 $0xFFFF4000  }
0xc: {  	[hbm4b:s7+s2] =	stream.linear.scatter [tilespmem:s2], [sflag:$0x3], $0xC000, $0x38;
	[tilespmem:$0x18000] =	vst v63  }
0xd: {  	_ =	swait.ge [sflag:s8], $0xC000  }
0xe: {  	s14 =	sor.u32 $0x3000, s29;
	[sflag:s8] =	ssyncset.done $0x0  }
0xf: {  	s10 =	simm.s32 $0x2;
	s9 =	sadd.s32 s28, s14;
	[sflag:s8] =	ssyncadd.s32 $0xFFFF4000  }
0x10: {  	[tilespmem:s2], [sflag:$0x1] =	stream.linear.gather [hbm4b:s9+s2], $0xC000, $0x38;
	[tilespmem:$0x18000] =	vst v63  }
0x11: {  	_ =	swait.ge [sflag:s10], $0xC000  }
0x12: {  	[sflag:s10] =	ssyncset.done $0x0  }
0x13: {  	s12 =	sadd.s32 s30, s11;
	s11 =	simm.s32 $0x4;
	[sflag:s10] =	ssyncadd.s32 $0xFFFF4000  }
0x14: {  	[hbm4b:s12+s2] =	stream.linear.scatter [tilespmem:s5], [sflag:$0x4], $0xC000, $0x38;
	[tilespmem:$0x18000] =	vst v63  }
0x15: {  	_ =	swait.ge [sflag:s11], $0xC000  }
0x16: {  	s16 =	sor.u32 $0x4800, s29;
	[sflag:s11] =	ssyncset.done $0x0  }
0x17: {  	s13 =	sadd.s32 s28, s16;
	[sflag:s11] =	ssyncadd.s32 $0xFFFF4000  }
0x18: {  	[tilespmem:s5], [sflag:$0x2] =	stream.linear.gather [hbm4b:s13+s2], $0xC000, $0x38;
	[tilespmem:$0x18000] =	vst v63  }
0x19: {  	_ =	swait.ge [sflag:s6], $0xC000  }
0x1a: {  	[sflag:s6] =	ssyncset.done $0x0  }
0x1b: {  	s14 =	sadd.s32 s30, s14;
	[sflag:s6] =	ssyncadd.s32 $0xFFFF4000  }
0x1c: {  	[hbm4b:s14+s2] =	stream.linear.scatter [tilespmem:s2], [sflag:$0x3], $0xC000, $0x38;
	[tilespmem:$0x18000] =	vst v63  }
0x1d: {  	_ =	swait.ge [sflag:s8], $0xC000  }
0x1e: {  	s18 =	sor.u32 $0x6000, s29;
	[sflag:s8] =	ssyncset.done $0x0  }
0x1f: {  	s15 =	sadd.s32 s28, s18;
	[sflag:s8] =	ssyncadd.s32 $0xFFFF4000  }
0x20: {  	[tilespmem:s2], [sflag:$0x1] =	stream.linear.gather [hbm4b:s15+s2], $0xC000, $0x38;
	[tilespmem:$0x18000] =	vst v63  }
0x21: {  	_ =	swait.ge [sflag:s10], $0xC000  }
0x22: {  	[sflag:s10] =	ssyncset.done $0x0  }
0x23: {  	s16 =	sadd.s32 s30, s16;
	[sflag:s10] =	ssyncadd.s32 $0xFFFF4000  }
0x24: {  	[hbm4b:s16+s2] =	stream.linear.scatter [tilespmem:s5], [sflag:$0x4], $0xC000, $0x38;
	[tilespmem:$0x18000] =	vst v63  }
0x25: {  	_ =	swait.ge [sflag:s11], $0xC000  }
0x26: {  	s20 =	sor.u32 $0x7800, s29;
	[sflag:s11] =	ssyncset.done $0x0  }
0x27: {  	s17 =	sadd.s32 s28, s20;
	[sflag:s11] =	ssyncadd.s32 $0xFFFF4000  }
0x28: {  	[tilespmem:s5], [sflag:$0x2] =	stream.linear.gather [hbm4b:s17+s2], $0xC000, $0x38;
	[tilespmem:$0x18000] =	vst v63  }
0x29: {  	_ =	swait.ge [sflag:s6], $0xC000  }
0x2a: {  	[sflag:s6] =	ssyncset.done $0x0  }
0x2b: {  	s18 =	sadd.s32 s30, s18;
	[sflag:s6] =	ssyncadd.s32 $0xFFFF4000  }
0x2c: {  	[hbm4b:s18+s2] =	stream.linear.scatter [tilespmem:s2], [sflag:$0x3], $0xC000, $0x38;
	[tilespmem:$0x18000] =	vst v63  }
0x2d: {  	_ =	swait.ge [sflag:s8], $0xC000  }
0x2e: {  	s22 =	sor.u32 $0x9000, s29;
	[sflag:s8] =	ssyncset.done $0x0  }
0x2f: {  	s19 =	sadd.s32 s28, s22;
	[sflag:s8] =	ssyncadd.s32 $0xFFFF4000  }
0x30: {  	[tilespmem:s2], [sflag:$0x1] =	stream.linear.gather [hbm4b:s19+s2], $0xC000, $0x38;
	[tilespmem:$0x18000] =	vst v63  }
0x31: {  	_ =	swait.ge [sflag:s10], $0xC000  }
0x32: {  	[sflag:s10] =	ssyncset.done $0x0  }
0x33: {  	s20 =	sadd.s32 s30, s20;
	[sflag:s10] =	ssyncadd.s32 $0xFFFF4000  }
0x34: {  	[hbm4b:s20+s2] =	stream.linear.scatter [tilespmem:s5], [sflag:$0x4], $0xC000, $0x38;
	[tilespmem:$0x18000] =	vst v63  }
0x35: {  	_ =	swait.ge [sflag:s11], $0xC000  }
0x36: {  	s24 =	sor.u32 $0xA800, s29;
	[sflag:s11] =	ssyncset.done $0x0  }
0x37: {  	s21 =	sadd.s32 s28, s24;
	[sflag:s11] =	ssyncadd.s32 $0xFFFF4000  }
0x38: {  	[tilespmem:s5], [sflag:$0x2] =	stream.linear.gather [hbm4b:s21+s2], $0xC000, $0x38;
	[tilespmem:$0x18000] =	vst v63  }
0x39: {  	_ =	swait.ge [sflag:s6], $0xC000  }
0x3a: {  	[sflag:s6] =	ssyncset.done $0x0  }
0x3b: {  	s22 =	sadd.s32 s30, s22;
	[sflag:s6] =	ssyncadd.s32 $0xFFFF4000  }
0x3c: {  	[hbm4b:s22+s2] =	stream.linear.scatter [tilespmem:s2], [sflag:$0x3], $0xC000, $0x38;
	[tilespmem:$0x18000] =	vst v63  }
0x3d: {  	_ =	swait.ge [sflag:s8], $0xC000  }
0x3e: {  	s26 =	sor.u32 $0xC000, s29;
	[sflag:s8] =	ssyncset.done $0x0  }
0x3f: {  	s23 =	sadd.s32 s28, s26;
	[sflag:s8] =	ssyncadd.s32 $0xFFFF4000  }
0x40: {  	[tilespmem:s2], [sflag:$0x1] =	stream.linear.gather [hbm4b:s23+s2], $0xC000, $0x38;
	[tilespmem:$0x18000] =	vst v63  }
0x41: {  	_ =	swait.ge [sflag:s10], $0xC000  }
0x42: {  	[sflag:s10] =	ssyncset.done $0x0  }
0x43: {  	s24 =	sadd.s32 s30, s24;
	[sflag:s10] =	ssyncadd.s32 $0xFFFF4000  }
0x44: {  	[hbm4b:s24+s2] =	stream.linear.scatter [tilespmem:s5], [sflag:$0x4], $0xC000, $0x38;
	[tilespmem:$0x18000] =	vst v63  }
0x45: {  	_ =	swait.ge [sflag:s11], $0xC000  }
0x46: {  	s0 =	sor.u32 $0xD800, s29;
	[sflag:s11] =	ssyncset.done $0x0  }
0x47: {  	s25 =	sadd.s32 s28, s0;
	[sflag:s11] =	ssyncadd.s32 $0xFFFF4000  }
0x48: {  	[tilespmem:s5], [sflag:$0x2] =	stream.linear.gather [hbm4b:s25+s2], $0xC000, $0x38;
	[tilespmem:$0x18000] =	vst v63  }
0x49: {  	_ =	swait.ge [sflag:s6], $0xC000  }
0x4a: {  	[sflag:s6] =	ssyncset.done $0x0  }
0x4b: {  	s26 =	sadd.s32 s30, s26;
	[sflag:s6] =	ssyncadd.s32 $0xFFFF4000  }
0x4c: {  	[hbm4b:s26+s2] =	stream.linear.scatter [tilespmem:s2], [sflag:$0x3], $0xC000, $0x38;
	[tilespmem:$0x18000] =	vst v63  }
0x4d: {  	_ =	swait.ge [sflag:s8], $0xC000  }
0x4e: {  	s1 =	sor.u32 $0xF000, s29;
	[sflag:s8] =	ssyncset.done $0x0  }
0x4f: {  	s28 =	sadd.s32 s28, s1;
	[sflag:s8] =	ssyncadd.s32 $0xFFFF4000  }
0x50: {  	[tilespmem:s2], [sflag:$0x1] =	stream.linear.gather [hbm4b:s28+s2], $0x8000, $0x38;
	[tilespmem:$0x18000] =	vst v63  }
0x51: {  	_ =	swait.ge [sflag:s10], $0xC000  }
0x52: {  	s29 =	sadd.s32 s30, s0;
	s0 =	ssub.s32 $0x2, s31;
	[sflag:s10] =	ssyncset.done $0x0  }
0x53: {  	s30 =	sadd.s32 s30, s1;
	s1 =	sshrl.u32 s0, $0x1;
	[sflag:s10] =	ssyncadd.s32 $0xFFFF4000  }
0x54: {  	[hbm4b:s29+s2] =	stream.linear.scatter [tilespmem:s5], [sflag:$0x4], $0xC000, $0x38;
	[tilespmem:$0x18000] =	vst v63  }
0x55: {  	s0 =	ssub.s32 s0, s1;
	_ =	swait.ge [sflag:s6], $0x8000  }
0x56: {  	s0 =	smax.u32 s0, $0x1;
	[sflag:s6] =	ssyncset.done $0x0  }
0x57: {  	p0 =	sne.s32 s0, $0x1;
	[sflag:s6] =	ssyncadd.s32 $0xFFFF8000  }
0x58: {  	[hbm4b:s30+s2] =	stream.linear.scatter [tilespmem:s2], [sflag:$0x3], $0x8000, $0x38;
	[tilespmem:$0x18000] =	vst v63  }
.Ltmp0:
0x59: {  	_ =	swait.ge [sflag:s8], $0x8000;
	(pc) =	sbr.rel @!p0 .LBB2_2-.Ltmp0, $4  }
0x5a: {  	[sflag:s8] =	ssyncset.done $0x0  }
0x5b: {  	[sflag:s8] =	ssyncadd.s32 $0xFFFF8000  }
0x5c: {  	_ =	swait.ge [sflag:s11], $0xC000  }
0x5d: {  	s31 =	sadd.s32 $0xFFFFFFFF, s0;
	[sflag:s11] =	ssyncset.done $0x0  }
.LBB2_1:
0x5e: {  	p0 =	sne.s32 s31, $0x1;
	s31 =	sadd.s32 $0xFFFFFFFF, s31;
	[sflag:s11] =	ssyncadd.s32 $0xFFFF4000  }
0x5f: {  	[tilespmem:s2], [sflag:$0x1] =	stream.linear.gather [hbm4b:s3+s2], $0xC000, $0x38;
	[tilespmem:$0x18000] =	vst v63  }
0x60: {  	_ = 	snop  }
0x61: {  	[tilespmem:s5], [sflag:$0x2] =	stream.linear.gather [hbm4b:s4+s2], $0xC000, $0x38;
	[tilespmem:$0x18000] =	vst v63  }
0x62: {  	_ =	swait.ge [sflag:s6], $0xC000  }
0x63: {  	[sflag:s6] =	ssyncset.done $0x0  }
0x64: {  	[sflag:s6] =	ssyncadd.s32 $0xFFFF4000  }
0x65: {  	[hbm4b:s7+s2] =	stream.linear.scatter [tilespmem:s2], [sflag:$0x3], $0xC000, $0x38;
	[tilespmem:$0x18000] =	vst v63  }
0x66: {  	_ =	swait.ge [sflag:s8], $0xC000  }
0x67: {  	[sflag:s8] =	ssyncset.done $0x0  }
0x68: {  	[sflag:s8] =	ssyncadd.s32 $0xFFFF4000  }
0x69: {  	[tilespmem:s2], [sflag:$0x1] =	stream.linear.gather [hbm4b:s9+s2], $0xC000, $0x38;
	[tilespmem:$0x18000] =	vst v63  }
0x6a: {  	_ =	swait.ge [sflag:s10], $0xC000  }
0x6b: {  	[sflag:s10] =	ssyncset.done $0x0  }
0x6c: {  	[sflag:s10] =	ssyncadd.s32 $0xFFFF4000  }
0x6d: {  	[hbm4b:s12+s2] =	stream.linear.scatter [tilespmem:s5], [sflag:$0x4], $0xC000, $0x38;
	[tilespmem:$0x18000] =	vst v63  }
0x6e: {  	_ =	swait.ge [sflag:s11], $0xC000  }
0x6f: {  	[sflag:s11] =	ssyncset.done $0x0  }
0x70: {  	[sflag:s11] =	ssyncadd.s32 $0xFFFF4000  }
0x71: {  	[tilespmem:s5], [sflag:$0x2] =	stream.linear.gather [hbm4b:s13+s2], $0xC000, $0x38;
	[tilespmem:$0x18000] =	vst v63  }
0x72: {  	_ =	swait.ge [sflag:s6], $0xC000  }
0x73: {  	[sflag:s6] =	ssyncset.done $0x0  }
0x74: {  	[sflag:s6] =	ssyncadd.s32 $0xFFFF4000  }
0x75: {  	[hbm4b:s14+s2] =	stream.linear.scatter [tilespmem:s2], [sflag:$0x3], $0xC000, $0x38;
	[tilespmem:$0x18000] =	vst v63  }
0x76: {  	_ =	swait.ge [sflag:s8], $0xC000  }
0x77: {  	[sflag:s8] =	ssyncset.done $0x0  }
0x78: {  	[sflag:s8] =	ssyncadd.s32 $0xFFFF4000  }
0x79: {  	[tilespmem:s2], [sflag:$0x1] =	stream.linear.gather [hbm4b:s15+s2], $0xC000, $0x38;
	[tilespmem:$0x18000] =	vst v63  }
0x7a: {  	_ =	swait.ge [sflag:s10], $0xC000  }
0x7b: {  	[sflag:s10] =	ssyncset.done $0x0  }
0x7c: {  	[sflag:s10] =	ssyncadd.s32 $0xFFFF4000  }
0x7d: {  	[hbm4b:s16+s2] =	stream.linear.scatter [tilespmem:s5], [sflag:$0x4], $0xC000, $0x38;
	[tilespmem:$0x18000] =	vst v63  }
0x7e: {  	_ =	swait.ge [sflag:s11], $0xC000  }
0x7f: {  	[sflag:s11] =	ssyncset.done $0x0  }
0x80: {  	[sflag:s11] =	ssyncadd.s32 $0xFFFF4000  }
0x81: {  	[tilespmem:s5], [sflag:$0x2] =	stream.linear.gather [hbm4b:s17+s2], $0xC000, $0x38;
	[tilespmem:$0x18000] =	vst v63  }
0x82: {  	_ =	swait.ge [sflag:s6], $0xC000  }
0x83: {  	[sflag:s6] =	ssyncset.done $0x0  }
0x84: {  	[sflag:s6] =	ssyncadd.s32 $0xFFFF4000  }
0x85: {  	[hbm4b:s18+s2] =	stream.linear.scatter [tilespmem:s2], [sflag:$0x3], $0xC000, $0x38;
	[tilespmem:$0x18000] =	vst v63  }
0x86: {  	_ =	swait.ge [sflag:s8], $0xC000  }
0x87: {  	[sflag:s8] =	ssyncset.done $0x0  }
0x88: {  	[sflag:s8] =	ssyncadd.s32 $0xFFFF4000  }
0x89: {  	[tilespmem:s2], [sflag:$0x1] =	stream.linear.gather [hbm4b:s19+s2], $0xC000, $0x38;
	[tilespmem:$0x18000] =	vst v63  }
0x8a: {  	_ =	swait.ge [sflag:s10], $0xC000  }
0x8b: {  	[sflag:s10] =	ssyncset.done $0x0  }
0x8c: {  	[sflag:s10] =	ssyncadd.s32 $0xFFFF4000  }
0x8d: {  	[hbm4b:s20+s2] =	stream.linear.scatter [tilespmem:s5], [sflag:$0x4], $0xC000, $0x38;
	[tilespmem:$0x18000] =	vst v63  }
0x8e: {  	_ =	swait.ge [sflag:s11], $0xC000  }
0x8f: {  	[sflag:s11] =	ssyncset.done $0x0  }
0x90: {  	[sflag:s11] =	ssyncadd.s32 $0xFFFF4000  }
0x91: {  	[tilespmem:s5], [sflag:$0x2] =	stream.linear.gather [hbm4b:s21+s2], $0xC000, $0x38;
	[tilespmem:$0x18000] =	vst v63  }
0x92: {  	_ =	swait.ge [sflag:s6], $0xC000  }
0x93: {  	[sflag:s6] =	ssyncset.done $0x0  }
0x94: {  	[sflag:s6] =	ssyncadd.s32 $0xFFFF4000  }
0x95: {  	[hbm4b:s22+s2] =	stream.linear.scatter [tilespmem:s2], [sflag:$0x3], $0xC000, $0x38;
	[tilespmem:$0x18000] =	vst v63  }
0x96: {  	_ =	swait.ge [sflag:s8], $0xC000  }
0x97: {  	[sflag:s8] =	ssyncset.done $0x0  }
0x98: {  	[sflag:s8] =	ssyncadd.s32 $0xFFFF4000  }
0x99: {  	[tilespmem:s2], [sflag:$0x1] =	stream.linear.gather [hbm4b:s23+s2], $0xC000, $0x38;
	[tilespmem:$0x18000] =	vst v63  }
0x9a: {  	_ =	swait.ge [sflag:s10], $0xC000  }
0x9b: {  	[sflag:s10] =	ssyncset.done $0x0  }
0x9c: {  	[sflag:s10] =	ssyncadd.s32 $0xFFFF4000  }
0x9d: {  	[hbm4b:s24+s2] =	stream.linear.scatter [tilespmem:s5], [sflag:$0x4], $0xC000, $0x38;
	[tilespmem:$0x18000] =	vst v63  }
0x9e: {  	_ =	swait.ge [sflag:s11], $0xC000  }
0x9f: {  	[sflag:s11] =	ssyncset.done $0x0  }
0xa0: {  	[sflag:s11] =	ssyncadd.s32 $0xFFFF4000  }
0xa1: {  	[tilespmem:s5], [sflag:$0x2] =	stream.linear.gather [hbm4b:s25+s2], $0xC000, $0x38;
	[tilespmem:$0x18000] =	vst v63  }
0xa2: {  	_ =	swait.ge [sflag:s6], $0xC000  }
0xa3: {  	[sflag:s6] =	ssyncset.done $0x0  }
0xa4: {  	[sflag:s6] =	ssyncadd.s32 $0xFFFF4000  }
0xa5: {  	[hbm4b:s26+s2] =	stream.linear.scatter [tilespmem:s2], [sflag:$0x3], $0xC000, $0x38;
	[tilespmem:$0x18000] =	vst v63  }
0xa6: {  	_ =	swait.ge [sflag:s8], $0xC000  }
0xa7: {  	[sflag:s8] =	ssyncset.done $0x0  }
0xa8: {  	[sflag:s8] =	ssyncadd.s32 $0xFFFF4000  }
0xa9: {  	[tilespmem:s2], [sflag:$0x1] =	stream.linear.gather [hbm4b:s28+s2], $0x8000, $0x38;
	[tilespmem:$0x18000] =	vst v63  }
0xaa: {  	_ =	swait.ge [sflag:s10], $0xC000  }
0xab: {  	[sflag:s10] =	ssyncset.done $0x0  }
0xac: {  	[sflag:s10] =	ssyncadd.s32 $0xFFFF4000  }
0xad: {  	[hbm4b:s29+s2] =	stream.linear.scatter [tilespmem:s5], [sflag:$0x4], $0xC000, $0x38;
	[tilespmem:$0x18000] =	vst v63  }
0xae: {  	_ =	swait.ge [sflag:s6], $0x8000  }
0xaf: {  	[sflag:s6] =	ssyncset.done $0x0  }
0xb0: {  	[sflag:s6] =	ssyncadd.s32 $0xFFFF8000  }
0xb1: {  	[hbm4b:s30+s2] =	stream.linear.scatter [tilespmem:s2], [sflag:$0x3], $0x8000, $0x38;
	[tilespmem:$0x18000] =	vst v63  }
.Ltmp1:
0xb2: {  	_ =	swait.ge [sflag:s8], $0x8000;
	(pc) =	sbr.rel @p0 .LBB2_1-.Ltmp1, $4  }
0xb3: {  	[sflag:s8] =	ssyncset.done $0x0  }
0xb4: {  	[sflag:s8] =	ssyncadd.s32 $0xFFFF8000  }
0xb5: {  	_ =	swait.ge [sflag:s11], $0xC000  }
0xb6: {  	[sflag:s11] =	ssyncset.done $0x0  }
.LBB2_2:
0xb7: {  	[sflag:s11] =	ssyncadd.s32 $0xFFFF4000  }
0xb8: {  	_ =	sfence.sel $0x180000  }
0xb9: {  	[bflag:$0x0] =	sbarrier.arrive $0xFFFF  }
0xba: {  	_ =	strace $0x90000047  }
0xbb: {  	s0 =	stileid.u32;
	[bflag:$0x2] =	sbarrier.arrive $0xFFFF  }
0xbc: {  	p0 =	sne.s32 s0, $0x0;
	s0 =	rddreg [dreg:$0x2]  }
0xbd: {  	s0 =	sadd.s32 @!p0 $0x100000, s0  }
0xbe: {  	[sflag:s0] =	ssyncadd.tile.s32 @!p0 $0x1;
	_ =	shalt  }
.Lfunc_end2:
_tile_overlayer_lowered:
.L_overlay_start_2:
0xbf: {  	(tag) =	ssettag $0x2  }
0xc0: {  	s0 =	rddreg [dreg:$0x0];
	s2 =	stileid.u32  }
0xc1: {  	s1 =	rddreg [dreg:$0x1];
	p0 =	sne.s32 s2, $0x0  }
0xc2: {  	s3 =	rddreg [dreg:$0x2];
	[bflag:$0x3] =	sbarrier.arrive $0xFFFF;
	s2 =	simm.s32 @!p0 $0x1C05  }
0xc3: {  	[timem:s3], [sflag:s2] =	dma.local @!p0 [hbm:s0], s1  }
0xc4: {  	s0 =	simm.s32 @!p0 $0x5  }
0xc5: {  	_ =	swait.ge @!p0 [sflag:s0], s1  }
0xc6: {  	s1 =	ssub.s32 @!p0 $0x0, s1;
	[sflag:s0] =	ssyncset.done @!p0 $0x0  }
0xc7: {  	[sflag:s0] =	ssyncadd.s32 @!p0 s1  }
0xc8: {  	[bflag:$0x3] =	sbarrier.arrive $0xFFFF  }
0xc9: {  	_ =	shalt  }

</sc_bundles>
